<compile_context>
chip_gen: v7x
topology: tpu7x:2x2x1
jax: 0.10.2.dev20260603
libtpu: 0.0.44.dev20260713+nightly
codegen_flags: <defaults>
</compile_context>

<pallas_src>
import functools

import jax
import jax.numpy as jnp
from jax import lax
from jax.experimental import pallas as pl
from jax.experimental.pallas import tpu as pltpu
from jax.experimental.pallas import tpu_sc as plsc

D = 64
CHUNK = 128
K = 5


@functools.cache
def _make_kernel(n_blocks_per_w: int, nc: int, ns: int):
    nw = nc * ns
    n_blocks = nw * n_blocks_per_w
    n_chunks_per_w = n_blocks_per_w * K
    mesh = plsc.VectorSubcoreMesh(core_axis_name="c", subcore_axis_name="s")
    assert n_blocks_per_w % 2 == 0

    @functools.partial(
        pl.kernel,
        out_type=jax.ShapeDtypeStruct((n_blocks * K, CHUNK, D), jnp.float32),
        mesh=mesh,
        scratch_types=[
            pltpu.VMEM((n_chunks_per_w, CHUNK), jnp.int32),
            pltpu.VMEM((2, K, CHUNK, D), jnp.float32),
            pltpu.SemaphoreType.DMA,
            pltpu.SemaphoreType.DMA,
            pltpu.SemaphoreType.DMA,
            pltpu.SemaphoreType.DMA,
        ],
        compiler_params=pltpu.CompilerParams(use_tc_tiling_on_sc=False),
    )
    def emb_kernel(idx_hbm, w_hbm, out_hbm, idx_v, rows_v, ga, gb, oa, ob):
        wid = lax.axis_index("s") * nc + lax.axis_index("c")
        chunk_base = wid * n_chunks_per_w

        pltpu.sync_copy(idx_hbm.at[wid], idx_v)

        def fire_gathers(blk, buf, sem):
            return [
                pltpu.async_copy(
                    w_hbm.at[idx_v.at[blk * K + j]], rows_v.at[buf, j], sem)
                for j in range(K)
            ]

        def fire_wb(blk, buf, sem):
            return pltpu.async_copy(
                rows_v.at[buf], out_hbm.at[pl.ds(chunk_base + blk * K, K)], sem)

        @pl.loop(0, n_blocks_per_w, step=2)
        def _(b0):
            ha = fire_gathers(b0, 0, ga)
            hb = fire_gathers(b0 + 1, 1, gb)
            for h in ha:
                h.wait()
            wa = fire_wb(b0, 0, oa)
            for h in hb:
                h.wait()
            wb = fire_wb(b0 + 1, 1, ob)
            wa.wait()
            wb.wait()

    return emb_kernel


def kernel(token_ids, weight):
    b, h = token_ids.shape
    n = b * h
    info = plsc.get_sparse_core_info()
    nc, ns = info.num_cores, info.num_subcores
    nw = nc * ns
    rows_per_block = K * CHUNK
    assert n % (nw * rows_per_block) == 0
    n_blocks_per_w = n // (nw * rows_per_block)
    idx = token_ids.reshape(nw, n_blocks_per_w * K, CHUNK).astype(jnp.int32)
    out = _make_kernel(n_blocks_per_w, nc, ns)(idx, weight)
    return out.reshape(b, h, D)

# --- scband reference (transcript-rebuilt; emitter-appended) ---
"""Pipeline reference for scband-embedding-70385924047535 (READ-ONLY COPY).

The authoritative reference and input builder live on the scoring server;
editing this copy changes nothing except your own understanding.
"""

import jax, jax.numpy as jnp
import numpy as np

NUM_EMBEDDINGS = 1000000
EMBEDDING_DIM = 64
BATCH = 4096
HIST_LEN = 200

def setup_inputs(seed: int = 0) -> dict:
    key = jax.random.key(seed)
    k_ids, k_w = jax.random.split(key)
    token_ids = jax.random.randint(k_ids, (BATCH, HIST_LEN), 0, NUM_EMBEDDINGS, dtype=jnp.int64 if jax.config.jax_enable_x64 else jnp.int32)
    # trunc_normal init approximated with normal clipped to [-2, 2] (matches torch trunc_normal_ defaults)
    w = jax.random.truncated_normal(k_w, -2.0, 2.0, (NUM_EMBEDDINGS, EMBEDDING_DIM), dtype=jnp.float32)
    return {"token_ids": token_ids, "weight": w}

def reference(token_ids, weight):
    # output[..., i, :] = weight[token_ids[..., i], :]
    return jnp.take(weight, token_ids, axis=0)

if __name__ == "__main__":
    import jax
    _d = setup_inputs()
    print(jax.jit(kernel)(*tuple(_d.values())))

</pallas_src>

<mosaic_0001>
#map = affine_map<(d0, d1) -> (0, 0, 0)>
#map1 = affine_map<(d0, d1) -> (0, 0)>
module attributes {stable_mosaic.version = 14 : i64} {
  func.func @emb_kernel(%arg0: i32, %arg1: i32, %arg2: memref<32x200x128xi32, #tpu.memory_space<hbm>>, %arg3: memref<1000000x64xf32, #tpu.memory_space<hbm>>, %arg4: memref<6400x128x64xf32, #tpu.memory_space<hbm>>, %arg5: memref<200x128xi32, #tpu.memory_space<vmem>>, %arg6: memref<2x5x128x64xf32, #tpu.memory_space<vmem>>, %arg7: memref<!tpu.dma_semaphore, #tpu.memory_space<semaphore_mem>>, %arg8: memref<!tpu.dma_semaphore, #tpu.memory_space<semaphore_mem>>, %arg9: memref<!tpu.dma_semaphore, #tpu.memory_space<semaphore_mem>>, %arg10: memref<!tpu.dma_semaphore, #tpu.memory_space<semaphore_mem>>) attributes {dimension_semantics = [#tpu.dimension_semantics<core_parallel>, #tpu.dimension_semantics<subcore_parallel>], iteration_bounds = array<i64: 2, 16>, scalar_prefetch = 0 : i64, scratch_operands = 6 : i64, tpu.core_type = #tpu.core_type<sc_vector_subcore>, window_params = [{transform_indices = #map}, {transform_indices = #map1}, {transform_indices = #map}]} {
    %mul3A = arith.constant 2 : i32
    %mul3A_0 = arith.muli %arg1, %mul3A : i32
    %add3A = arith.addi %mul3A_0, %arg0 : i32
    %mul3A_1 = arith.constant 200 : i32
    %mul3A_2 = arith.muli %add3A, %mul3A_1 : i32
    "tpu.region"() ({
      %run_scoped3A = tpu.sem_alloc : memref<!tpu.dma_semaphore, #tpu.memory_space<semaphore_mem>>
      %dma_start3A = arith.constant 0 : i32
      %dma_start3A_7 = arith.constant 0 : i32
      %dma_start3A_8 = tpu.memref_slice %arg2[%add3A, %dma_start3A, %dma_start3A_7] : memref<32x200x128xi32, #tpu.memory_space<hbm>> -> memref<1x200x128xi32, #tpu.memory_space<hbm>>
      %dma_start3A_9 = tpu.memref_squeeze %dma_start3A_8 : memref<1x200x128xi32, #tpu.memory_space<hbm>> -> memref<200x128xi32, #tpu.memory_space<hbm>>
      %dma_start3A_10 = arith.constant 0 : i32
      %dma_start3A_11 = arith.constant 0 : i32
      %dma_start3A_12 = tpu.memref_slice %arg2[%add3A, %dma_start3A_10, %dma_start3A_11] : memref<32x200x128xi32, #tpu.memory_space<hbm>> -> memref<1x200x128xi32, #tpu.memory_space<hbm>>
      %dma_start3A_13 = tpu.memref_squeeze %dma_start3A_12 : memref<1x200x128xi32, #tpu.memory_space<hbm>> -> memref<200x128xi32, #tpu.memory_space<hbm>>
      tpu.enqueue_dma source(%dma_start3A_13 : memref<200x128xi32, #tpu.memory_space<hbm>>) target(%arg5 : memref<200x128xi32, #tpu.memory_space<vmem>>) target_semaphore(%run_scoped3A : memref<!tpu.dma_semaphore, #tpu.memory_space<semaphore_mem>>)
      %dma_wait3A = arith.constant 0 : i32
      %dma_wait3A_14 = arith.constant 0 : i32
      %dma_wait3A_15 = tpu.memref_slice %arg2[%add3A, %dma_wait3A, %dma_wait3A_14] : memref<32x200x128xi32, #tpu.memory_space<hbm>> -> memref<1x200x128xi32, #tpu.memory_space<hbm>>
      %dma_wait3A_16 = tpu.memref_squeeze %dma_wait3A_15 : memref<1x200x128xi32, #tpu.memory_space<hbm>> -> memref<200x128xi32, #tpu.memory_space<hbm>>
      %dma_wait3A_17 = arith.constant 0 : i32
      %dma_wait3A_18 = arith.constant 0 : i32
      %dma_wait3A_19 = tpu.memref_slice %arg2[%add3A, %dma_wait3A_17, %dma_wait3A_18] : memref<32x200x128xi32, #tpu.memory_space<hbm>> -> memref<1x200x128xi32, #tpu.memory_space<hbm>>
      %dma_wait3A_20 = tpu.memref_squeeze %dma_wait3A_19 : memref<1x200x128xi32, #tpu.memory_space<hbm>> -> memref<200x128xi32, #tpu.memory_space<hbm>>
      tpu.wait_dma2 semaphore(%run_scoped3A : memref<!tpu.dma_semaphore, #tpu.memory_space<semaphore_mem>>) src(%dma_wait3A_20 : memref<200x128xi32, #tpu.memory_space<hbm>>) dst(%arg5 : memref<200x128xi32, #tpu.memory_space<vmem>>)
      tpu.yield
    }) : () -> ()
    %scan3A = arith.constant 0 : i32
    %scan3A_3 = arith.constant 20 : i32
    %scan3A_4 = arith.addi %scan3A, %scan3A_3 : i32
    %scan3A_5 = arith.constant 1 : i32
    scf.for %scan3A_7 = %scan3A to %scan3A_4 step %scan3A_5  : i32 {
      %mul3A_8 = arith.constant 2 : i32
      %mul3A_9 = arith.muli %scan3A_7, %mul3A_8 : i32
      %add3A_10 = arith.constant 0 : i32
      %add3A_11 = arith.addi %add3A_10, %mul3A_9 : i32
      %mul3A_12 = arith.constant 5 : i32
      %mul3A_13 = arith.muli %add3A_11, %mul3A_12 : i32
      %add3A_14 = arith.constant 0 : i32
      %add3A_15 = arith.addi %mul3A_13, %add3A_14 : i32
      %dma_start3A = arith.constant 0 : i32
      %dma_start3A_16 = arith.constant 0 : i32
      %dma_start3A_17 = arith.constant 0 : i32
      %dma_start3A_18 = arith.constant 0 : i32
      %dma_start3A_19 = tpu.memref_slice %arg6[%dma_start3A, %dma_start3A_16, %dma_start3A_17, %dma_start3A_18] : memref<2x5x128x64xf32, #tpu.memory_space<vmem>> -> memref<1x1x128x64xf32, #tpu.memory_space<vmem>>
      %dma_start3A_20 = tpu.memref_squeeze %dma_start3A_19 : memref<1x1x128x64xf32, #tpu.memory_space<vmem>> -> memref<128x64xf32, #tpu.memory_space<vmem>>
      %dma_start3A_21 = arith.constant 0 : i32
      %dma_start3A_22 = tpu.memref_slice %arg5[%add3A_15, %dma_start3A_21] : memref<200x128xi32, #tpu.memory_space<vmem>> -> memref<1x128xi32, #tpu.memory_space<vmem>>
      %dma_start3A_23 = tpu.memref_squeeze %dma_start3A_22 : memref<1x128xi32, #tpu.memory_space<vmem>> -> memref<128xi32, #tpu.memory_space<vmem>>
      %dma_start3A_24 = arith.constant 0 : i32
      %dma_start3A_25 = arith.constant 0 : i32
      %dma_start3A_26 = tpu.memref_slice %arg3[%dma_start3A_24, %dma_start3A_25] : memref<1000000x64xf32, #tpu.memory_space<hbm>> -> memref<1000000x64xf32, #tpu.memory_space<hbm>>
      tpu.enqueue_indirect_dma source(%dma_start3A_26 : memref<1000000x64xf32, #tpu.memory_space<hbm>>) target(%dma_start3A_20 : memref<128x64xf32, #tpu.memory_space<vmem>>) offsets(%dma_start3A_23 : memref<128xi32, #tpu.memory_space<vmem>>) semaphore(%arg7 : memref<!tpu.dma_semaphore, #tpu.memory_space<semaphore_mem>>)
      %mul3A_27 = arith.constant 5 : i32
      %mul3A_28 = arith.muli %add3A_11, %mul3A_27 : i32
      %add3A_29 = arith.constant 1 : i32
      %add3A_30 = arith.addi %mul3A_28, %add3A_29 : i32
      %dma_start3A_31 = arith.constant 0 : i32
      %dma_start3A_32 = arith.constant 1 : i32
      %dma_start3A_33 = arith.constant 0 : i32
      %dma_start3A_34 = arith.constant 0 : i32
      %dma_start3A_35 = tpu.memref_slice %arg6[%dma_start3A_31, %dma_start3A_32, %dma_start3A_33, %dma_start3A_34] : memref<2x5x128x64xf32, #tpu.memory_space<vmem>> -> memref<1x1x128x64xf32, #tpu.memory_space<vmem>>
      %dma_start3A_36 = tpu.memref_squeeze %dma_start3A_35 : memref<1x1x128x64xf32, #tpu.memory_space<vmem>> -> memref<128x64xf32, #tpu.memory_space<vmem>>
      %dma_start3A_37 = arith.constant 0 : i32
      %dma_start3A_38 = tpu.memref_slice %arg5[%add3A_30, %dma_start3A_37] : memref<200x128xi32, #tpu.memory_space<vmem>> -> memref<1x128xi32, #tpu.memory_space<vmem>>
      %dma_start3A_39 = tpu.memref_squeeze %dma_start3A_38 : memref<1x128xi32, #tpu.memory_space<vmem>> -> memref<128xi32, #tpu.memory_space<vmem>>
      %dma_start3A_40 = arith.constant 0 : i32
      %dma_start3A_41 = arith.constant 0 : i32
      %dma_start3A_42 = tpu.memref_slice %arg3[%dma_start3A_40, %dma_start3A_41] : memref<1000000x64xf32, #tpu.memory_space<hbm>> -> memref<1000000x64xf32, #tpu.memory_space<hbm>>
      tpu.enqueue_indirect_dma source(%dma_start3A_42 : memref<1000000x64xf32, #tpu.memory_space<hbm>>) target(%dma_start3A_36 : memref<128x64xf32, #tpu.memory_space<vmem>>) offsets(%dma_start3A_39 : memref<128xi32, #tpu.memory_space<vmem>>) semaphore(%arg7 : memref<!tpu.dma_semaphore, #tpu.memory_space<semaphore_mem>>)
      %mul3A_43 = arith.constant 5 : i32
      %mul3A_44 = arith.muli %add3A_11, %mul3A_43 : i32
      %add3A_45 = arith.constant 2 : i32
      %add3A_46 = arith.addi %mul3A_44, %add3A_45 : i32
      %dma_start3A_47 = arith.constant 0 : i32
      %dma_start3A_48 = arith.constant 2 : i32
      %dma_start3A_49 = arith.constant 0 : i32
      %dma_start3A_50 = arith.constant 0 : i32
      %dma_start3A_51 = tpu.memref_slice %arg6[%dma_start3A_47, %dma_start3A_48, %dma_start3A_49, %dma_start3A_50] : memref<2x5x128x64xf32, #tpu.memory_space<vmem>> -> memref<1x1x128x64xf32, #tpu.memory_space<vmem>>
      %dma_start3A_52 = tpu.memref_squeeze %dma_start3A_51 : memref<1x1x128x64xf32, #tpu.memory_space<vmem>> -> memref<128x64xf32, #tpu.memory_space<vmem>>
      %dma_start3A_53 = arith.constant 0 : i32
      %dma_start3A_54 = tpu.memref_slice %arg5[%add3A_46, %dma_start3A_53] : memref<200x128xi32, #tpu.memory_space<vmem>> -> memref<1x128xi32, #tpu.memory_space<vmem>>
      %dma_start3A_55 = tpu.memref_squeeze %dma_start3A_54 : memref<1x128xi32, #tpu.memory_space<vmem>> -> memref<128xi32, #tpu.memory_space<vmem>>
      %dma_start3A_56 = arith.constant 0 : i32
      %dma_start3A_57 = arith.constant 0 : i32
      %dma_start3A_58 = tpu.memref_slice %arg3[%dma_start3A_56, %dma_start3A_57] : memref<1000000x64xf32, #tpu.memory_space<hbm>> -> memref<1000000x64xf32, #tpu.memory_space<hbm>>
      tpu.enqueue_indirect_dma source(%dma_start3A_58 : memref<1000000x64xf32, #tpu.memory_space<hbm>>) target(%dma_start3A_52 : memref<128x64xf32, #tpu.memory_space<vmem>>) offsets(%dma_start3A_55 : memref<128xi32, #tpu.memory_space<vmem>>) semaphore(%arg7 : memref<!tpu.dma_semaphore, #tpu.memory_space<semaphore_mem>>)
      %mul3A_59 = arith.constant 5 : i32
      %mul3A_60 = arith.muli %add3A_11, %mul3A_59 : i32
      %add3A_61 = arith.constant 3 : i32
      %add3A_62 = arith.addi %mul3A_60, %add3A_61 : i32
      %dma_start3A_63 = arith.constant 0 : i32
      %dma_start3A_64 = arith.constant 3 : i32
      %dma_start3A_65 = arith.constant 0 : i32
      %dma_start3A_66 = arith.constant 0 : i32
      %dma_start3A_67 = tpu.memref_slice %arg6[%dma_start3A_63, %dma_start3A_64, %dma_start3A_65, %dma_start3A_66] : memref<2x5x128x64xf32, #tpu.memory_space<vmem>> -> memref<1x1x128x64xf32, #tpu.memory_space<vmem>>
      %dma_start3A_68 = tpu.memref_squeeze %dma_start3A_67 : memref<1x1x128x64xf32, #tpu.memory_space<vmem>> -> memref<128x64xf32, #tpu.memory_space<vmem>>
      %dma_start3A_69 = arith.constant 0 : i32
      %dma_start3A_70 = tpu.memref_slice %arg5[%add3A_62, %dma_start3A_69] : memref<200x128xi32, #tpu.memory_space<vmem>> -> memref<1x128xi32, #tpu.memory_space<vmem>>
      %dma_start3A_71 = tpu.memref_squeeze %dma_start3A_70 : memref<1x128xi32, #tpu.memory_space<vmem>> -> memref<128xi32, #tpu.memory_space<vmem>>
      %dma_start3A_72 = arith.constant 0 : i32
      %dma_start3A_73 = arith.constant 0 : i32
      %dma_start3A_74 = tpu.memref_slice %arg3[%dma_start3A_72, %dma_start3A_73] : memref<1000000x64xf32, #tpu.memory_space<hbm>> -> memref<1000000x64xf32, #tpu.memory_space<hbm>>
      tpu.enqueue_indirect_dma source(%dma_start3A_74 : memref<1000000x64xf32, #tpu.memory_space<hbm>>) target(%dma_start3A_68 : memref<128x64xf32, #tpu.memory_space<vmem>>) offsets(%dma_start3A_71 : memref<128xi32, #tpu.memory_space<vmem>>) semaphore(%arg7 : memref<!tpu.dma_semaphore, #tpu.memory_space<semaphore_mem>>)
      %mul3A_75 = arith.constant 5 : i32
      %mul3A_76 = arith.muli %add3A_11, %mul3A_75 : i32
      %add3A_77 = arith.constant 4 : i32
      %add3A_78 = arith.addi %mul3A_76, %add3A_77 : i32
      %dma_start3A_79 = arith.constant 0 : i32
      %dma_start3A_80 = arith.constant 4 : i32
      %dma_start3A_81 = arith.constant 0 : i32
      %dma_start3A_82 = arith.constant 0 : i32
      %dma_start3A_83 = tpu.memref_slice %arg6[%dma_start3A_79, %dma_start3A_80, %dma_start3A_81, %dma_start3A_82] : memref<2x5x128x64xf32, #tpu.memory_space<vmem>> -> memref<1x1x128x64xf32, #tpu.memory_space<vmem>>
      %dma_start3A_84 = tpu.memref_squeeze %dma_start3A_83 : memref<1x1x128x64xf32, #tpu.memory_space<vmem>> -> memref<128x64xf32, #tpu.memory_space<vmem>>
      %dma_start3A_85 = arith.constant 0 : i32
      %dma_start3A_86 = tpu.memref_slice %arg5[%add3A_78, %dma_start3A_85] : memref<200x128xi32, #tpu.memory_space<vmem>> -> memref<1x128xi32, #tpu.memory_space<vmem>>
      %dma_start3A_87 = tpu.memref_squeeze %dma_start3A_86 : memref<1x128xi32, #tpu.memory_space<vmem>> -> memref<128xi32, #tpu.memory_space<vmem>>
      %dma_start3A_88 = arith.constant 0 : i32
      %dma_start3A_89 = arith.constant 0 : i32
      %dma_start3A_90 = tpu.memref_slice %arg3[%dma_start3A_88, %dma_start3A_89] : memref<1000000x64xf32, #tpu.memory_space<hbm>> -> memref<1000000x64xf32, #tpu.memory_space<hbm>>
      tpu.enqueue_indirect_dma source(%dma_start3A_90 : memref<1000000x64xf32, #tpu.memory_space<hbm>>) target(%dma_start3A_84 : memref<128x64xf32, #tpu.memory_space<vmem>>) offsets(%dma_start3A_87 : memref<128xi32, #tpu.memory_space<vmem>>) semaphore(%arg7 : memref<!tpu.dma_semaphore, #tpu.memory_space<semaphore_mem>>)
      %add3A_91 = arith.constant 1 : i32
      %add3A_92 = arith.addi %add3A_11, %add3A_91 : i32
      %mul3A_93 = arith.constant 5 : i32
      %mul3A_94 = arith.muli %add3A_92, %mul3A_93 : i32
      %add3A_95 = arith.constant 0 : i32
      %add3A_96 = arith.addi %mul3A_94, %add3A_95 : i32
      %dma_start3A_97 = arith.constant 1 : i32
      %dma_start3A_98 = arith.constant 0 : i32
      %dma_start3A_99 = arith.constant 0 : i32
      %dma_start3A_100 = arith.constant 0 : i32
      %dma_start3A_101 = tpu.memref_slice %arg6[%dma_start3A_97, %dma_start3A_98, %dma_start3A_99, %dma_start3A_100] : memref<2x5x128x64xf32, #tpu.memory_space<vmem>> -> memref<1x1x128x64xf32, #tpu.memory_space<vmem>>
      %dma_start3A_102 = tpu.memref_squeeze %dma_start3A_101 : memref<1x1x128x64xf32, #tpu.memory_space<vmem>> -> memref<128x64xf32, #tpu.memory_space<vmem>>
      %dma_start3A_103 = arith.constant 0 : i32
      %dma_start3A_104 = tpu.memref_slice %arg5[%add3A_96, %dma_start3A_103] : memref<200x128xi32, #tpu.memory_space<vmem>> -> memref<1x128xi32, #tpu.memory_space<vmem>>
      %dma_start3A_105 = tpu.memref_squeeze %dma_start3A_104 : memref<1x128xi32, #tpu.memory_space<vmem>> -> memref<128xi32, #tpu.memory_space<vmem>>
      %dma_start3A_106 = arith.constant 0 : i32
      %dma_start3A_107 = arith.constant 0 : i32
      %dma_start3A_108 = tpu.memref_slice %arg3[%dma_start3A_106, %dma_start3A_107] : memref<1000000x64xf32, #tpu.memory_space<hbm>> -> memref<1000000x64xf32, #tpu.memory_space<hbm>>
      tpu.enqueue_indirect_dma source(%dma_start3A_108 : memref<1000000x64xf32, #tpu.memory_space<hbm>>) target(%dma_start3A_102 : memref<128x64xf32, #tpu.memory_space<vmem>>) offsets(%dma_start3A_105 : memref<128xi32, #tpu.memory_space<vmem>>) semaphore(%arg8 : memref<!tpu.dma_semaphore, #tpu.memory_space<semaphore_mem>>)
      %mul3A_109 = arith.constant 5 : i32
      %mul3A_110 = arith.muli %add3A_92, %mul3A_109 : i32
      %add3A_111 = arith.constant 1 : i32
      %add3A_112 = arith.addi %mul3A_110, %add3A_111 : i32
      %dma_start3A_113 = arith.constant 1 : i32
      %dma_start3A_114 = arith.constant 1 : i32
      %dma_start3A_115 = arith.constant 0 : i32
      %dma_start3A_116 = arith.constant 0 : i32
      %dma_start3A_117 = tpu.memref_slice %arg6[%dma_start3A_113, %dma_start3A_114, %dma_start3A_115, %dma_start3A_116] : memref<2x5x128x64xf32, #tpu.memory_space<vmem>> -> memref<1x1x128x64xf32, #tpu.memory_space<vmem>>
      %dma_start3A_118 = tpu.memref_squeeze %dma_start3A_117 : memref<1x1x128x64xf32, #tpu.memory_space<vmem>> -> memref<128x64xf32, #tpu.memory_space<vmem>>
      %dma_start3A_119 = arith.constant 0 : i32
      %dma_start3A_120 = tpu.memref_slice %arg5[%add3A_112, %dma_start3A_119] : memref<200x128xi32, #tpu.memory_space<vmem>> -> memref<1x128xi32, #tpu.memory_space<vmem>>
      %dma_start3A_121 = tpu.memref_squeeze %dma_start3A_120 : memref<1x128xi32, #tpu.memory_space<vmem>> -> memref<128xi32, #tpu.memory_space<vmem>>
      %dma_start3A_122 = arith.constant 0 : i32
      %dma_start3A_123 = arith.constant 0 : i32
      %dma_start3A_124 = tpu.memref_slice %arg3[%dma_start3A_122, %dma_start3A_123] : memref<1000000x64xf32, #tpu.memory_space<hbm>> -> memref<1000000x64xf32, #tpu.memory_space<hbm>>
      tpu.enqueue_indirect_dma source(%dma_start3A_124 : memref<1000000x64xf32, #tpu.memory_space<hbm>>) target(%dma_start3A_118 : memref<128x64xf32, #tpu.memory_space<vmem>>) offsets(%dma_start3A_121 : memref<128xi32, #tpu.memory_space<vmem>>) semaphore(%arg8 : memref<!tpu.dma_semaphore, #tpu.memory_space<semaphore_mem>>)
      %mul3A_125 = arith.constant 5 : i32
      %mul3A_126 = arith.muli %add3A_92, %mul3A_125 : i32
      %add3A_127 = arith.constant 2 : i32
      %add3A_128 = arith.addi %mul3A_126, %add3A_127 : i32
      %dma_start3A_129 = arith.constant 1 : i32
      %dma_start3A_130 = arith.constant 2 : i32
      %dma_start3A_131 = arith.constant 0 : i32
      %dma_start3A_132 = arith.constant 0 : i32
      %dma_start3A_133 = tpu.memref_slice %arg6[%dma_start3A_129, %dma_start3A_130, %dma_start3A_131, %dma_start3A_132] : memref<2x5x128x64xf32, #tpu.memory_space<vmem>> -> memref<1x1x128x64xf32, #tpu.memory_space<vmem>>
      %dma_start3A_134 = tpu.memref_squeeze %dma_start3A_133 : memref<1x1x128x64xf32, #tpu.memory_space<vmem>> -> memref<128x64xf32, #tpu.memory_space<vmem>>
      %dma_start3A_135 = arith.constant 0 : i32
      %dma_start3A_136 = tpu.memref_slice %arg5[%add3A_128, %dma_start3A_135] : memref<200x128xi32, #tpu.memory_space<vmem>> -> memref<1x128xi32, #tpu.memory_space<vmem>>
      %dma_start3A_137 = tpu.memref_squeeze %dma_start3A_136 : memref<1x128xi32, #tpu.memory_space<vmem>> -> memref<128xi32, #tpu.memory_space<vmem>>
      %dma_start3A_138 = arith.constant 0 : i32
      %dma_start3A_139 = arith.constant 0 : i32
      %dma_start3A_140 = tpu.memref_slice %arg3[%dma_start3A_138, %dma_start3A_139] : memref<1000000x64xf32, #tpu.memory_space<hbm>> -> memref<1000000x64xf32, #tpu.memory_space<hbm>>
      tpu.enqueue_indirect_dma source(%dma_start3A_140 : memref<1000000x64xf32, #tpu.memory_space<hbm>>) target(%dma_start3A_134 : memref<128x64xf32, #tpu.memory_space<vmem>>) offsets(%dma_start3A_137 : memref<128xi32, #tpu.memory_space<vmem>>) semaphore(%arg8 : memref<!tpu.dma_semaphore, #tpu.memory_space<semaphore_mem>>)
      %mul3A_141 = arith.constant 5 : i32
      %mul3A_142 = arith.muli %add3A_92, %mul3A_141 : i32
      %add3A_143 = arith.constant 3 : i32
      %add3A_144 = arith.addi %mul3A_142, %add3A_143 : i32
      %dma_start3A_145 = arith.constant 1 : i32
      %dma_start3A_146 = arith.constant 3 : i32
      %dma_start3A_147 = arith.constant 0 : i32
      %dma_start3A_148 = arith.constant 0 : i32
      %dma_start3A_149 = tpu.memref_slice %arg6[%dma_start3A_145, %dma_start3A_146, %dma_start3A_147, %dma_start3A_148] : memref<2x5x128x64xf32, #tpu.memory_space<vmem>> -> memref<1x1x128x64xf32, #tpu.memory_space<vmem>>
      %dma_start3A_150 = tpu.memref_squeeze %dma_start3A_149 : memref<1x1x128x64xf32, #tpu.memory_space<vmem>> -> memref<128x64xf32, #tpu.memory_space<vmem>>
      %dma_start3A_151 = arith.constant 0 : i32
      %dma_start3A_152 = tpu.memref_slice %arg5[%add3A_144, %dma_start3A_151] : memref<200x128xi32, #tpu.memory_space<vmem>> -> memref<1x128xi32, #tpu.memory_space<vmem>>
      %dma_start3A_153 = tpu.memref_squeeze %dma_start3A_152 : memref<1x128xi32, #tpu.memory_space<vmem>> -> memref<128xi32, #tpu.memory_space<vmem>>
      %dma_start3A_154 = arith.constant 0 : i32
      %dma_start3A_155 = arith.constant 0 : i32
      %dma_start3A_156 = tpu.memref_slice %arg3[%dma_start3A_154, %dma_start3A_155] : memref<1000000x64xf32, #tpu.memory_space<hbm>> -> memref<1000000x64xf32, #tpu.memory_space<hbm>>
      tpu.enqueue_indirect_dma source(%dma_start3A_156 : memref<1000000x64xf32, #tpu.memory_space<hbm>>) target(%dma_start3A_150 : memref<128x64xf32, #tpu.memory_space<vmem>>) offsets(%dma_start3A_153 : memref<128xi32, #tpu.memory_space<vmem>>) semaphore(%arg8 : memref<!tpu.dma_semaphore, #tpu.memory_space<semaphore_mem>>)
      %mul3A_157 = arith.constant 5 : i32
      %mul3A_158 = arith.muli %add3A_92, %mul3A_157 : i32
      %add3A_159 = arith.constant 4 : i32
      %add3A_160 = arith.addi %mul3A_158, %add3A_159 : i32
      %dma_start3A_161 = arith.constant 1 : i32
      %dma_start3A_162 = arith.constant 4 : i32
      %dma_start3A_163 = arith.constant 0 : i32
      %dma_start3A_164 = arith.constant 0 : i32
      %dma_start3A_165 = tpu.memref_slice %arg6[%dma_start3A_161, %dma_start3A_162, %dma_start3A_163, %dma_start3A_164] : memref<2x5x128x64xf32, #tpu.memory_space<vmem>> -> memref<1x1x128x64xf32, #tpu.memory_space<vmem>>
      %dma_start3A_166 = tpu.memref_squeeze %dma_start3A_165 : memref<1x1x128x64xf32, #tpu.memory_space<vmem>> -> memref<128x64xf32, #tpu.memory_space<vmem>>
      %dma_start3A_167 = arith.constant 0 : i32
      %dma_start3A_168 = tpu.memref_slice %arg5[%add3A_160, %dma_start3A_167] : memref<200x128xi32, #tpu.memory_space<vmem>> -> memref<1x128xi32, #tpu.memory_space<vmem>>
      %dma_start3A_169 = tpu.memref_squeeze %dma_start3A_168 : memref<1x128xi32, #tpu.memory_space<vmem>> -> memref<128xi32, #tpu.memory_space<vmem>>
      %dma_start3A_170 = arith.constant 0 : i32
      %dma_start3A_171 = arith.constant 0 : i32
      %dma_start3A_172 = tpu.memref_slice %arg3[%dma_start3A_170, %dma_start3A_171] : memref<1000000x64xf32, #tpu.memory_space<hbm>> -> memref<1000000x64xf32, #tpu.memory_space<hbm>>
      tpu.enqueue_indirect_dma source(%dma_start3A_172 : memref<1000000x64xf32, #tpu.memory_space<hbm>>) target(%dma_start3A_166 : memref<128x64xf32, #tpu.memory_space<vmem>>) offsets(%dma_start3A_169 : memref<128xi32, #tpu.memory_space<vmem>>) semaphore(%arg8 : memref<!tpu.dma_semaphore, #tpu.memory_space<semaphore_mem>>)
      %dma_wait3A = arith.constant 0 : i32
      %dma_wait3A_173 = arith.constant 0 : i32
      %dma_wait3A_174 = arith.constant 0 : i32
      %dma_wait3A_175 = arith.constant 0 : i32
      %dma_wait3A_176 = tpu.memref_slice %arg6[%dma_wait3A, %dma_wait3A_173, %dma_wait3A_174, %dma_wait3A_175] : memref<2x5x128x64xf32, #tpu.memory_space<vmem>> -> memref<1x1x128x64xf32, #tpu.memory_space<vmem>>
      %dma_wait3A_177 = tpu.memref_squeeze %dma_wait3A_176 : memref<1x1x128x64xf32, #tpu.memory_space<vmem>> -> memref<128x64xf32, #tpu.memory_space<vmem>>
      %dma_wait3A_178 = arith.constant 0 : i32
      %dma_wait3A_179 = tpu.memref_slice %arg5[%add3A_15, %dma_wait3A_178] : memref<200x128xi32, #tpu.memory_space<vmem>> -> memref<1x128xi32, #tpu.memory_space<vmem>>
      %dma_wait3A_180 = tpu.memref_squeeze %dma_wait3A_179 : memref<1x128xi32, #tpu.memory_space<vmem>> -> memref<128xi32, #tpu.memory_space<vmem>>
      %dma_wait3A_181 = arith.constant 0 : i32
      %dma_wait3A_182 = arith.constant 0 : i32
      %dma_wait3A_183 = tpu.memref_slice %arg3[%dma_wait3A_181, %dma_wait3A_182] : memref<1000000x64xf32, #tpu.memory_space<hbm>> -> memref<1000000x64xf32, #tpu.memory_space<hbm>>
      tpu.wait_indirect_dma semaphore(%arg7 : memref<!tpu.dma_semaphore, #tpu.memory_space<semaphore_mem>>) src(%dma_wait3A_183 : memref<1000000x64xf32, #tpu.memory_space<hbm>>) dst(%dma_wait3A_177 : memref<128x64xf32, #tpu.memory_space<vmem>>)
      %dma_wait3A_184 = arith.constant 0 : i32
      %dma_wait3A_185 = arith.constant 1 : i32
      %dma_wait3A_186 = arith.constant 0 : i32
      %dma_wait3A_187 = arith.constant 0 : i32
      %dma_wait3A_188 = tpu.memref_slice %arg6[%dma_wait3A_184, %dma_wait3A_185, %dma_wait3A_186, %dma_wait3A_187] : memref<2x5x128x64xf32, #tpu.memory_space<vmem>> -> memref<1x1x128x64xf32, #tpu.memory_space<vmem>>
      %dma_wait3A_189 = tpu.memref_squeeze %dma_wait3A_188 : memref<1x1x128x64xf32, #tpu.memory_space<vmem>> -> memref<128x64xf32, #tpu.memory_space<vmem>>
      %dma_wait3A_190 = arith.constant 0 : i32
      %dma_wait3A_191 = tpu.memref_slice %arg5[%add3A_30, %dma_wait3A_190] : memref<200x128xi32, #tpu.memory_space<vmem>> -> memref<1x128xi32, #tpu.memory_space<vmem>>
      %dma_wait3A_192 = tpu.memref_squeeze %dma_wait3A_191 : memref<1x128xi32, #tpu.memory_space<vmem>> -> memref<128xi32, #tpu.memory_space<vmem>>
      %dma_wait3A_193 = arith.constant 0 : i32
      %dma_wait3A_194 = arith.constant 0 : i32
      %dma_wait3A_195 = tpu.memref_slice %arg3[%dma_wait3A_193, %dma_wait3A_194] : memref<1000000x64xf32, #tpu.memory_space<hbm>> -> memref<1000000x64xf32, #tpu.memory_space<hbm>>
      tpu.wait_indirect_dma semaphore(%arg7 : memref<!tpu.dma_semaphore, #tpu.memory_space<semaphore_mem>>) src(%dma_wait3A_195 : memref<1000000x64xf32, #tpu.memory_space<hbm>>) dst(%dma_wait3A_189 : memref<128x64xf32, #tpu.memory_space<vmem>>)
      %dma_wait3A_196 = arith.constant 0 : i32
      %dma_wait3A_197 = arith.constant 2 : i32
      %dma_wait3A_198 = arith.constant 0 : i32
      %dma_wait3A_199 = arith.constant 0 : i32
      %dma_wait3A_200 = tpu.memref_slice %arg6[%dma_wait3A_196, %dma_wait3A_197, %dma_wait3A_198, %dma_wait3A_199] : memref<2x5x128x64xf32, #tpu.memory_space<vmem>> -> memref<1x1x128x64xf32, #tpu.memory_space<vmem>>
      %dma_wait3A_201 = tpu.memref_squeeze %dma_wait3A_200 : memref<1x1x128x64xf32, #tpu.memory_space<vmem>> -> memref<128x64xf32, #tpu.memory_space<vmem>>
      %dma_wait3A_202 = arith.constant 0 : i32
      %dma_wait3A_203 = tpu.memref_slice %arg5[%add3A_46, %dma_wait3A_202] : memref<200x128xi32, #tpu.memory_space<vmem>> -> memref<1x128xi32, #tpu.memory_space<vmem>>
      %dma_wait3A_204 = tpu.memref_squeeze %dma_wait3A_203 : memref<1x128xi32, #tpu.memory_space<vmem>> -> memref<128xi32, #tpu.memory_space<vmem>>
      %dma_wait3A_205 = arith.constant 0 : i32
      %dma_wait3A_206 = arith.constant 0 : i32
      %dma_wait3A_207 = tpu.memref_slice %arg3[%dma_wait3A_205, %dma_wait3A_206] : memref<1000000x64xf32, #tpu.memory_space<hbm>> -> memref<1000000x64xf32, #tpu.memory_space<hbm>>
      tpu.wait_indirect_dma semaphore(%arg7 : memref<!tpu.dma_semaphore, #tpu.memory_space<semaphore_mem>>) src(%dma_wait3A_207 : memref<1000000x64xf32, #tpu.memory_space<hbm>>) dst(%dma_wait3A_201 : memref<128x64xf32, #tpu.memory_space<vmem>>)
      %dma_wait3A_208 = arith.constant 0 : i32
      %dma_wait3A_209 = arith.constant 3 : i32
      %dma_wait3A_210 = arith.constant 0 : i32
      %dma_wait3A_211 = arith.constant 0 : i32
      %dma_wait3A_212 = tpu.memref_slice %arg6[%dma_wait3A_208, %dma_wait3A_209, %dma_wait3A_210, %dma_wait3A_211] : memref<2x5x128x64xf32, #tpu.memory_space<vmem>> -> memref<1x1x128x64xf32, #tpu.memory_space<vmem>>
      %dma_wait3A_213 = tpu.memref_squeeze %dma_wait3A_212 : memref<1x1x128x64xf32, #tpu.memory_space<vmem>> -> memref<128x64xf32, #tpu.memory_space<vmem>>
      %dma_wait3A_214 = arith.constant 0 : i32
      %dma_wait3A_215 = tpu.memref_slice %arg5[%add3A_62, %dma_wait3A_214] : memref<200x128xi32, #tpu.memory_space<vmem>> -> memref<1x128xi32, #tpu.memory_space<vmem>>
      %dma_wait3A_216 = tpu.memref_squeeze %dma_wait3A_215 : memref<1x128xi32, #tpu.memory_space<vmem>> -> memref<128xi32, #tpu.memory_space<vmem>>
      %dma_wait3A_217 = arith.constant 0 : i32
      %dma_wait3A_218 = arith.constant 0 : i32
      %dma_wait3A_219 = tpu.memref_slice %arg3[%dma_wait3A_217, %dma_wait3A_218] : memref<1000000x64xf32, #tpu.memory_space<hbm>> -> memref<1000000x64xf32, #tpu.memory_space<hbm>>
      tpu.wait_indirect_dma semaphore(%arg7 : memref<!tpu.dma_semaphore, #tpu.memory_space<semaphore_mem>>) src(%dma_wait3A_219 : memref<1000000x64xf32, #tpu.memory_space<hbm>>) dst(%dma_wait3A_213 : memref<128x64xf32, #tpu.memory_space<vmem>>)
      %dma_wait3A_220 = arith.constant 0 : i32
      %dma_wait3A_221 = arith.constant 4 : i32
      %dma_wait3A_222 = arith.constant 0 : i32
      %dma_wait3A_223 = arith.constant 0 : i32
      %dma_wait3A_224 = tpu.memref_slice %arg6[%dma_wait3A_220, %dma_wait3A_221, %dma_wait3A_222, %dma_wait3A_223] : memref<2x5x128x64xf32, #tpu.memory_space<vmem>> -> memref<1x1x128x64xf32, #tpu.memory_space<vmem>>
      %dma_wait3A_225 = tpu.memref_squeeze %dma_wait3A_224 : memref<1x1x128x64xf32, #tpu.memory_space<vmem>> -> memref<128x64xf32, #tpu.memory_space<vmem>>
      %dma_wait3A_226 = arith.constant 0 : i32
      %dma_wait3A_227 = tpu.memref_slice %arg5[%add3A_78, %dma_wait3A_226] : memref<200x128xi32, #tpu.memory_space<vmem>> -> memref<1x128xi32, #tpu.memory_space<vmem>>
      %dma_wait3A_228 = tpu.memref_squeeze %dma_wait3A_227 : memref<1x128xi32, #tpu.memory_space<vmem>> -> memref<128xi32, #tpu.memory_space<vmem>>
      %dma_wait3A_229 = arith.constant 0 : i32
      %dma_wait3A_230 = arith.constant 0 : i32
      %dma_wait3A_231 = tpu.memref_slice %arg3[%dma_wait3A_229, %dma_wait3A_230] : memref<1000000x64xf32, #tpu.memory_space<hbm>> -> memref<1000000x64xf32, #tpu.memory_space<hbm>>
      tpu.wait_indirect_dma semaphore(%arg7 : memref<!tpu.dma_semaphore, #tpu.memory_space<semaphore_mem>>) src(%dma_wait3A_231 : memref<1000000x64xf32, #tpu.memory_space<hbm>>) dst(%dma_wait3A_225 : memref<128x64xf32, #tpu.memory_space<vmem>>)
      %mul3A_232 = arith.constant 5 : i32
      %mul3A_233 = arith.muli %add3A_11, %mul3A_232 : i32
      %add3A_234 = arith.addi %mul3A_2, %mul3A_233 : i32
      %dma_start3A_235 = arith.constant 0 : i32
      %dma_start3A_236 = arith.constant 0 : i32
      %dma_start3A_237 = arith.constant 0 : i32
      %dma_start3A_238 = arith.constant 0 : i32
      %dma_start3A_239 = tpu.memref_slice %arg6[%dma_start3A_235, %dma_start3A_236, %dma_start3A_237, %dma_start3A_238] : memref<2x5x128x64xf32, #tpu.memory_space<vmem>> -> memref<1x5x128x64xf32, #tpu.memory_space<vmem>>
      %dma_start3A_240 = tpu.memref_squeeze %dma_start3A_239 : memref<1x5x128x64xf32, #tpu.memory_space<vmem>> -> memref<5x128x64xf32, #tpu.memory_space<vmem>>
      %dma_start3A_241 = arith.constant 0 : i32
      %dma_start3A_242 = arith.constant 0 : i32
      %dma_start3A_243 = tpu.memref_slice %arg4[%add3A_234, %dma_start3A_241, %dma_start3A_242] : memref<6400x128x64xf32, #tpu.memory_space<hbm>> -> memref<5x128x64xf32, #tpu.memory_space<hbm>>
      %dma_start3A_244 = arith.constant 0 : i32
      %dma_start3A_245 = arith.constant 0 : i32
      %dma_start3A_246 = tpu.memref_slice %arg4[%add3A_234, %dma_start3A_244, %dma_start3A_245] : memref<6400x128x64xf32, #tpu.memory_space<hbm>> -> memref<5x128x64xf32, #tpu.memory_space<hbm>>
      %dma_start3A_247 = arith.constant 0 : i32
      %dma_start3A_248 = arith.constant 0 : i32
      %dma_start3A_249 = arith.constant 0 : i32
      %dma_start3A_250 = tpu.memref_slice %arg6[%dma_start3A_235, %dma_start3A_247, %dma_start3A_248, %dma_start3A_249] : memref<2x5x128x64xf32, #tpu.memory_space<vmem>> -> memref<1x5x128x64xf32, #tpu.memory_space<vmem>>
      %dma_start3A_251 = tpu.memref_squeeze %dma_start3A_250 : memref<1x5x128x64xf32, #tpu.memory_space<vmem>> -> memref<5x128x64xf32, #tpu.memory_space<vmem>>
      tpu.enqueue_dma source(%dma_start3A_251 : memref<5x128x64xf32, #tpu.memory_space<vmem>>) target(%dma_start3A_246 : memref<5x128x64xf32, #tpu.memory_space<hbm>>) target_semaphore(%arg9 : memref<!tpu.dma_semaphore, #tpu.memory_space<semaphore_mem>>)
      %dma_wait3A_252 = arith.constant 1 : i32
      %dma_wait3A_253 = arith.constant 0 : i32
      %dma_wait3A_254 = arith.constant 0 : i32
      %dma_wait3A_255 = arith.constant 0 : i32
      %dma_wait3A_256 = tpu.memref_slice %arg6[%dma_wait3A_252, %dma_wait3A_253, %dma_wait3A_254, %dma_wait3A_255] : memref<2x5x128x64xf32, #tpu.memory_space<vmem>> -> memref<1x1x128x64xf32, #tpu.memory_space<vmem>>
      %dma_wait3A_257 = tpu.memref_squeeze %dma_wait3A_256 : memref<1x1x128x64xf32, #tpu.memory_space<vmem>> -> memref<128x64xf32, #tpu.memory_space<vmem>>
      %dma_wait3A_258 = arith.constant 0 : i32
      %dma_wait3A_259 = tpu.memref_slice %arg5[%add3A_96, %dma_wait3A_258] : memref<200x128xi32, #tpu.memory_space<vmem>> -> memref<1x128xi32, #tpu.memory_space<vmem>>
      %dma_wait3A_260 = tpu.memref_squeeze %dma_wait3A_259 : memref<1x128xi32, #tpu.memory_space<vmem>> -> memref<128xi32, #tpu.memory_space<vmem>>
      %dma_wait3A_261 = arith.constant 0 : i32
      %dma_wait3A_262 = arith.constant 0 : i32
      %dma_wait3A_263 = tpu.memref_slice %arg3[%dma_wait3A_261, %dma_wait3A_262] : memref<1000000x64xf32, #tpu.memory_space<hbm>> -> memref<1000000x64xf32, #tpu.memory_space<hbm>>
      tpu.wait_indirect_dma semaphore(%arg8 : memref<!tpu.dma_semaphore, #tpu.memory_space<semaphore_mem>>) src(%dma_wait3A_263 : memref<1000000x64xf32, #tpu.memory_space<hbm>>) dst(%dma_wait3A_257 : memref<128x64xf32, #tpu.memory_space<vmem>>)
      %dma_wait3A_264 = arith.constant 1 : i32
      %dma_wait3A_265 = arith.constant 1 : i32
      %dma_wait3A_266 = arith.constant 0 : i32
      %dma_wait3A_267 = arith.constant 0 : i32
      %dma_wait3A_268 = tpu.memref_slice %arg6[%dma_wait3A_264, %dma_wait3A_265, %dma_wait3A_266, %dma_wait3A_267] : memref<2x5x128x64xf32, #tpu.memory_space<vmem>> -> memref<1x1x128x64xf32, #tpu.memory_space<vmem>>
      %dma_wait3A_269 = tpu.memref_squeeze %dma_wait3A_268 : memref<1x1x128x64xf32, #tpu.memory_space<vmem>> -> memref<128x64xf32, #tpu.memory_space<vmem>>
      %dma_wait3A_270 = arith.constant 0 : i32
      %dma_wait3A_271 = tpu.memref_slice %arg5[%add3A_112, %dma_wait3A_270] : memref<200x128xi32, #tpu.memory_space<vmem>> -> memref<1x128xi32, #tpu.memory_space<vmem>>
      %dma_wait3A_272 = tpu.memref_squeeze %dma_wait3A_271 : memref<1x128xi32, #tpu.memory_space<vmem>> -> memref<128xi32, #tpu.memory_space<vmem>>
      %dma_wait3A_273 = arith.constant 0 : i32
      %dma_wait3A_274 = arith.constant 0 : i32
      %dma_wait3A_275 = tpu.memref_slice %arg3[%dma_wait3A_273, %dma_wait3A_274] : memref<1000000x64xf32, #tpu.memory_space<hbm>> -> memref<1000000x64xf32, #tpu.memory_space<hbm>>
      tpu.wait_indirect_dma semaphore(%arg8 : memref<!tpu.dma_semaphore, #tpu.memory_space<semaphore_mem>>) src(%dma_wait3A_275 : memref<1000000x64xf32, #tpu.memory_space<hbm>>) dst(%dma_wait3A_269 : memref<128x64xf32, #tpu.memory_space<vmem>>)
      %dma_wait3A_276 = arith.constant 1 : i32
      %dma_wait3A_277 = arith.constant 2 : i32
      %dma_wait3A_278 = arith.constant 0 : i32
      %dma_wait3A_279 = arith.constant 0 : i32
      %dma_wait3A_280 = tpu.memref_slice %arg6[%dma_wait3A_276, %dma_wait3A_277, %dma_wait3A_278, %dma_wait3A_279] : memref<2x5x128x64xf32, #tpu.memory_space<vmem>> -> memref<1x1x128x64xf32, #tpu.memory_space<vmem>>
      %dma_wait3A_281 = tpu.memref_squeeze %dma_wait3A_280 : memref<1x1x128x64xf32, #tpu.memory_space<vmem>> -> memref<128x64xf32, #tpu.memory_space<vmem>>
      %dma_wait3A_282 = arith.constant 0 : i32
      %dma_wait3A_283 = tpu.memref_slice %arg5[%add3A_128, %dma_wait3A_282] : memref<200x128xi32, #tpu.memory_space<vmem>> -> memref<1x128xi32, #tpu.memory_space<vmem>>
      %dma_wait3A_284 = tpu.memref_squeeze %dma_wait3A_283 : memref<1x128xi32, #tpu.memory_space<vmem>> -> memref<128xi32, #tpu.memory_space<vmem>>
      %dma_wait3A_285 = arith.constant 0 : i32
      %dma_wait3A_286 = arith.constant 0 : i32
      %dma_wait3A_287 = tpu.memref_slice %arg3[%dma_wait3A_285, %dma_wait3A_286] : memref<1000000x64xf32, #tpu.memory_space<hbm>> -> memref<1000000x64xf32, #tpu.memory_space<hbm>>
      tpu.wait_indirect_dma semaphore(%arg8 : memref<!tpu.dma_semaphore, #tpu.memory_space<semaphore_mem>>) src(%dma_wait3A_287 : memref<1000000x64xf32, #tpu.memory_space<hbm>>) dst(%dma_wait3A_281 : memref<128x64xf32, #tpu.memory_space<vmem>>)
      %dma_wait3A_288 = arith.constant 1 : i32
      %dma_wait3A_289 = arith.constant 3 : i32
      %dma_wait3A_290 = arith.constant 0 : i32
      %dma_wait3A_291 = arith.constant 0 : i32
      %dma_wait3A_292 = tpu.memref_slice %arg6[%dma_wait3A_288, %dma_wait3A_289, %dma_wait3A_290, %dma_wait3A_291] : memref<2x5x128x64xf32, #tpu.memory_space<vmem>> -> memref<1x1x128x64xf32, #tpu.memory_space<vmem>>
      %dma_wait3A_293 = tpu.memref_squeeze %dma_wait3A_292 : memref<1x1x128x64xf32, #tpu.memory_space<vmem>> -> memref<128x64xf32, #tpu.memory_space<vmem>>
      %dma_wait3A_294 = arith.constant 0 : i32
      %dma_wait3A_295 = tpu.memref_slice %arg5[%add3A_144, %dma_wait3A_294] : memref<200x128xi32, #tpu.memory_space<vmem>> -> memref<1x128xi32, #tpu.memory_space<vmem>>
      %dma_wait3A_296 = tpu.memref_squeeze %dma_wait3A_295 : memref<1x128xi32, #tpu.memory_space<vmem>> -> memref<128xi32, #tpu.memory_space<vmem>>
      %dma_wait3A_297 = arith.constant 0 : i32
      %dma_wait3A_298 = arith.constant 0 : i32
      %dma_wait3A_299 = tpu.memref_slice %arg3[%dma_wait3A_297, %dma_wait3A_298] : memref<1000000x64xf32, #tpu.memory_space<hbm>> -> memref<1000000x64xf32, #tpu.memory_space<hbm>>
      tpu.wait_indirect_dma semaphore(%arg8 : memref<!tpu.dma_semaphore, #tpu.memory_space<semaphore_mem>>) src(%dma_wait3A_299 : memref<1000000x64xf32, #tpu.memory_space<hbm>>) dst(%dma_wait3A_293 : memref<128x64xf32, #tpu.memory_space<vmem>>)
      %dma_wait3A_300 = arith.constant 1 : i32
      %dma_wait3A_301 = arith.constant 4 : i32
      %dma_wait3A_302 = arith.constant 0 : i32
      %dma_wait3A_303 = arith.constant 0 : i32
      %dma_wait3A_304 = tpu.memref_slice %arg6[%dma_wait3A_300, %dma_wait3A_301, %dma_wait3A_302, %dma_wait3A_303] : memref<2x5x128x64xf32, #tpu.memory_space<vmem>> -> memref<1x1x128x64xf32, #tpu.memory_space<vmem>>
      %dma_wait3A_305 = tpu.memref_squeeze %dma_wait3A_304 : memref<1x1x128x64xf32, #tpu.memory_space<vmem>> -> memref<128x64xf32, #tpu.memory_space<vmem>>
      %dma_wait3A_306 = arith.constant 0 : i32
      %dma_wait3A_307 = tpu.memref_slice %arg5[%add3A_160, %dma_wait3A_306] : memref<200x128xi32, #tpu.memory_space<vmem>> -> memref<1x128xi32, #tpu.memory_space<vmem>>
      %dma_wait3A_308 = tpu.memref_squeeze %dma_wait3A_307 : memref<1x128xi32, #tpu.memory_space<vmem>> -> memref<128xi32, #tpu.memory_space<vmem>>
      %dma_wait3A_309 = arith.constant 0 : i32
      %dma_wait3A_310 = arith.constant 0 : i32
      %dma_wait3A_311 = tpu.memref_slice %arg3[%dma_wait3A_309, %dma_wait3A_310] : memref<1000000x64xf32, #tpu.memory_space<hbm>> -> memref<1000000x64xf32, #tpu.memory_space<hbm>>
      tpu.wait_indirect_dma semaphore(%arg8 : memref<!tpu.dma_semaphore, #tpu.memory_space<semaphore_mem>>) src(%dma_wait3A_311 : memref<1000000x64xf32, #tpu.memory_space<hbm>>) dst(%dma_wait3A_305 : memref<128x64xf32, #tpu.memory_space<vmem>>)
      %add3A_312 = arith.constant 1 : i32
      %add3A_313 = arith.addi %add3A_11, %add3A_312 : i32
      %mul3A_314 = arith.constant 5 : i32
      %mul3A_315 = arith.muli %add3A_313, %mul3A_314 : i32
      %add3A_316 = arith.addi %mul3A_2, %mul3A_315 : i32
      %dma_start3A_317 = arith.constant 1 : i32
      %dma_start3A_318 = arith.constant 0 : i32
      %dma_start3A_319 = arith.constant 0 : i32
      %dma_start3A_320 = arith.constant 0 : i32
      %dma_start3A_321 = tpu.memref_slice %arg6[%dma_start3A_317, %dma_start3A_318, %dma_start3A_319, %dma_start3A_320] : memref<2x5x128x64xf32, #tpu.memory_space<vmem>> -> memref<1x5x128x64xf32, #tpu.memory_space<vmem>>
      %dma_start3A_322 = tpu.memref_squeeze %dma_start3A_321 : memref<1x5x128x64xf32, #tpu.memory_space<vmem>> -> memref<5x128x64xf32, #tpu.memory_space<vmem>>
      %dma_start3A_323 = arith.constant 0 : i32
      %dma_start3A_324 = arith.constant 0 : i32
      %dma_start3A_325 = tpu.memref_slice %arg4[%add3A_316, %dma_start3A_323, %dma_start3A_324] : memref<6400x128x64xf32, #tpu.memory_space<hbm>> -> memref<5x128x64xf32, #tpu.memory_space<hbm>>
      %dma_start3A_326 = arith.constant 0 : i32
      %dma_start3A_327 = arith.constant 0 : i32
      %dma_start3A_328 = tpu.memref_slice %arg4[%add3A_316, %dma_start3A_326, %dma_start3A_327] : memref<6400x128x64xf32, #tpu.memory_space<hbm>> -> memref<5x128x64xf32, #tpu.memory_space<hbm>>
      %dma_start3A_329 = arith.constant 0 : i32
      %dma_start3A_330 = arith.constant 0 : i32
      %dma_start3A_331 = arith.constant 0 : i32
      %dma_start3A_332 = tpu.memref_slice %arg6[%dma_start3A_317, %dma_start3A_329, %dma_start3A_330, %dma_start3A_331] : memref<2x5x128x64xf32, #tpu.memory_space<vmem>> -> memref<1x5x128x64xf32, #tpu.memory_space<vmem>>
      %dma_start3A_333 = tpu.memref_squeeze %dma_start3A_332 : memref<1x5x128x64xf32, #tpu.memory_space<vmem>> -> memref<5x128x64xf32, #tpu.memory_space<vmem>>
      tpu.enqueue_dma source(%dma_start3A_333 : memref<5x128x64xf32, #tpu.memory_space<vmem>>) target(%dma_start3A_328 : memref<5x128x64xf32, #tpu.memory_space<hbm>>) target_semaphore(%arg10 : memref<!tpu.dma_semaphore, #tpu.memory_space<semaphore_mem>>)
      %dma_wait3A_334 = arith.constant 0 : i32
      %dma_wait3A_335 = arith.constant 0 : i32
      %dma_wait3A_336 = arith.constant 0 : i32
      %dma_wait3A_337 = arith.constant 0 : i32
      %dma_wait3A_338 = tpu.memref_slice %arg6[%dma_wait3A_334, %dma_wait3A_335, %dma_wait3A_336, %dma_wait3A_337] : memref<2x5x128x64xf32, #tpu.memory_space<vmem>> -> memref<1x5x128x64xf32, #tpu.memory_space<vmem>>
      %dma_wait3A_339 = tpu.memref_squeeze %dma_wait3A_338 : memref<1x5x128x64xf32, #tpu.memory_space<vmem>> -> memref<5x128x64xf32, #tpu.memory_space<vmem>>
      %dma_wait3A_340 = arith.constant 0 : i32
      %dma_wait3A_341 = arith.constant 0 : i32
      %dma_wait3A_342 = tpu.memref_slice %arg4[%add3A_234, %dma_wait3A_340, %dma_wait3A_341] : memref<6400x128x64xf32, #tpu.memory_space<hbm>> -> memref<5x128x64xf32, #tpu.memory_space<hbm>>
      %dma_wait3A_343 = arith.constant 0 : i32
      %dma_wait3A_344 = arith.constant 0 : i32
      %dma_wait3A_345 = tpu.memref_slice %arg4[%add3A_234, %dma_wait3A_343, %dma_wait3A_344] : memref<6400x128x64xf32, #tpu.memory_space<hbm>> -> memref<5x128x64xf32, #tpu.memory_space<hbm>>
      %dma_wait3A_346 = arith.constant 0 : i32
      %dma_wait3A_347 = arith.constant 0 : i32
      %dma_wait3A_348 = arith.constant 0 : i32
      %dma_wait3A_349 = tpu.memref_slice %arg6[%dma_wait3A_334, %dma_wait3A_346, %dma_wait3A_347, %dma_wait3A_348] : memref<2x5x128x64xf32, #tpu.memory_space<vmem>> -> memref<1x5x128x64xf32, #tpu.memory_space<vmem>>
      %dma_wait3A_350 = tpu.memref_squeeze %dma_wait3A_349 : memref<1x5x128x64xf32, #tpu.memory_space<vmem>> -> memref<5x128x64xf32, #tpu.memory_space<vmem>>
      tpu.wait_dma2 semaphore(%arg9 : memref<!tpu.dma_semaphore, #tpu.memory_space<semaphore_mem>>) src(%dma_wait3A_350 : memref<5x128x64xf32, #tpu.memory_space<vmem>>) dst(%dma_wait3A_345 : memref<5x128x64xf32, #tpu.memory_space<hbm>>)
      %dma_wait3A_351 = arith.constant 1 : i32
      %dma_wait3A_352 = arith.constant 0 : i32
      %dma_wait3A_353 = arith.constant 0 : i32
      %dma_wait3A_354 = arith.constant 0 : i32
      %dma_wait3A_355 = tpu.memref_slice %arg6[%dma_wait3A_351, %dma_wait3A_352, %dma_wait3A_353, %dma_wait3A_354] : memref<2x5x128x64xf32, #tpu.memory_space<vmem>> -> memref<1x5x128x64xf32, #tpu.memory_space<vmem>>
      %dma_wait3A_356 = tpu.memref_squeeze %dma_wait3A_355 : memref<1x5x128x64xf32, #tpu.memory_space<vmem>> -> memref<5x128x64xf32, #tpu.memory_space<vmem>>
      %dma_wait3A_357 = arith.constant 0 : i32
      %dma_wait3A_358 = arith.constant 0 : i32
      %dma_wait3A_359 = tpu.memref_slice %arg4[%add3A_316, %dma_wait3A_357, %dma_wait3A_358] : memref<6400x128x64xf32, #tpu.memory_space<hbm>> -> memref<5x128x64xf32, #tpu.memory_space<hbm>>
      %dma_wait3A_360 = arith.constant 0 : i32
      %dma_wait3A_361 = arith.constant 0 : i32
      %dma_wait3A_362 = tpu.memref_slice %arg4[%add3A_316, %dma_wait3A_360, %dma_wait3A_361] : memref<6400x128x64xf32, #tpu.memory_space<hbm>> -> memref<5x128x64xf32, #tpu.memory_space<hbm>>
      %dma_wait3A_363 = arith.constant 0 : i32
      %dma_wait3A_364 = arith.constant 0 : i32
      %dma_wait3A_365 = arith.constant 0 : i32
      %dma_wait3A_366 = tpu.memref_slice %arg6[%dma_wait3A_351, %dma_wait3A_363, %dma_wait3A_364, %dma_wait3A_365] : memref<2x5x128x64xf32, #tpu.memory_space<vmem>> -> memref<1x5x128x64xf32, #tpu.memory_space<vmem>>
      %dma_wait3A_367 = tpu.memref_squeeze %dma_wait3A_366 : memref<1x5x128x64xf32, #tpu.memory_space<vmem>> -> memref<5x128x64xf32, #tpu.memory_space<vmem>>
      tpu.wait_dma2 semaphore(%arg10 : memref<!tpu.dma_semaphore, #tpu.memory_space<semaphore_mem>>) src(%dma_wait3A_367 : memref<5x128x64xf32, #tpu.memory_space<vmem>>) dst(%dma_wait3A_362 : memref<5x128x64xf32, #tpu.memory_space<hbm>>)
    }
    %scan3A_6 = arith.constant 20 : i32
    return
  }
}

</mosaic_0001>

<sc_bundles>
// kernel: kernel.3.cloned.1.call-start
scs
__scs_entry_jumppad:
0x0: {  	(pc) =	sbr.rel $0x88, $3  }
0x1: {  	(tag) =	ssettag $0x0;
	lr =	simm.s32 $0x1  }
0x2: {  	[smem:$0x3F9F] =	sst lr;
	_ =	strace $0xD0000000  }
0x3: {  	_ = 	snop  }
0x4: {  	_ = 	snop  }
0x5: {  	_ = 	snop  }
0x6: {  	_ = 	snop  }
0x7: {  	_ = 	snop  }
__scs_overlays_trampoline_lowered:
0x8: {  	[smem:$0x3FAE] =	sst s0  }
0x9: {  	[smem:$0x3FAF] =	sst s1  }
0xa: {  	[smem:$0x3FB0] =	sst s2  }
0xb: {  	[smem:$0x3FB1] =	sst s3  }
0xc: {  	[smem:$0x3FB2] =	sst s4  }
0xd: {  	[smem:$0x3FB3] =	sst s5  }
0xe: {  	[smem:$0x3FB4] =	sst s6  }
0xf: {  	[smem:$0x3FB5] =	sst s7  }
0x10: {  	[smem:$0x3FB6] =	sst s8  }
0x11: {  	[smem:$0x3FB7] =	sst s9;
	s0 =	simm.s32 @!p0 $0x0  }
0x12: {  	s1 =	sld [smem:$0x3F9D];
	s0 =	simm.s32 @p0 $0x1  }
0x13: {  	[smem:$0x3FB8] =	sst s0;
	s0 =	simm.s32 @!p1 $0x0  }
0x14: {  	s2 =	sld [smem:$0x3F9C];
	s0 =	simm.s32 @p1 $0x1  }
0x15: {  	[smem:$0x3FB9] =	sst s0;
	s0 =	simm.s32 @!p2 $0x0  }
0x16: {  	s3 =	sld [smem:$0x3FDB];
	s0 =	simm.s32 @p2 $0x1  }
0x17: {  	s4 =	simm.s32 $0x1BF5;
	[smem:$0x3FBB] =	sst s0  }
0x18: {  	s0 =	sld [smem:$0x3F9E];
	_ =	swait.ge [sflag:s4], $0x0  }
0x19: {  	s7 =	sld [smem:$0x3F9F]  }
0x1a: {  	s8 =	sadd.s32 $0xFFFFE003, lr  }
0x1b: {  	s9 =	sadd.s32 $0xFFFFFEF7, lr;
	s5 =	simm.s32 $0xFFFFFFFF;
	p2 =	slt.u32 s8, $0xFFFFF086  }
0x1c: {  	p1 =	slt.u32 s9, $0xF7A;
	s5 =	simm.s32 @!p2 $0x0  }
0x1d: {  	s5 =	simm.s32 @p1 $0x1;
	p0 =	seq.s32 s7, s2  }
0x1e: {  	s7 =	smul.u32 @!p0 $0xF7A, s2;
	p2 =	seq.s32 @!p0 s5, $0x0  }
0x1f: {  	s9 =	smul.u32 $0xF7A, s1;
	s8 =	simm.s32 @!p0 $0x1BF5;
	p2 =	por !p2, p0  }
0x20: {  	[sflag:s8] =	ssyncset.s32 @!p0 $0xFFFFF086;
	s6 =	sadd.s32 @!p0 s3, s7;
	s7 =	simm.s32 @!p0 $0x108  }
0x21: {  	s3 =	sadd.s32 s3, s9;
	s6 =	sadd.s32 @!p0 $0x88, s6;
	s7 =	simm.s32 @p2 $0x1082  }
0x22: {  	[simem:s7], [sflag:s8] =	dma.local @!p0 [hbm:s6], $0xF7A  }
0x23: {  	s9 =	sor.u32 $0xD0000000, s2;
	s6 =	simm.s32 $0x108;
	_ =	swait.ge @!p0 [sflag:s8], $0x0  }
0x24: {  	s3 =	sadd.s32 $0x88, s3;
	s6 =	simm.s32 @!p1 $0x1082;
	[sflag:s4] =	ssyncset.s32 $0xFFFFF086  }
0x25: {  	[simem:s6], [sflag:s4] =	dma.local [hbm:s3], $0xF7A  }
0x26: {  	[smem:$0x3F9F] =	sst s1;
	(tag) =	ssettag s2;
	_ =	strace s9  }
0x27: {  	s1 =	sld [smem:$0x3FAF]  }
0x28: {  	s2 =	sld [smem:$0x3FB0]  }
0x29: {  	s4 =	sld [smem:$0x3FB2]  }
0x2a: {  	p0 =	seq.s32 s5, $0x0;
	s5 =	sld [smem:$0x3FB3]  }
0x2b: {  	s6 =	sld [smem:$0x3FB4]  }
0x2c: {  	s7 =	sld [smem:$0x3FB5]  }
0x2d: {  	s3 =	simm.s32 $0x108;
	s8 =	sld [smem:$0x3FB6]  }
0x2e: {  	s3 =	simm.s32 @!p0 $0x1082;
	s9 =	sld [smem:$0x3FB7]  }
0x2f: {  	lr =	sadd.s32 s0, s3;
	s0 =	sld [smem:$0x3FAE]  }
0x30: {  	s3 =	sld [smem:$0x3FB1]  }
0x31: {  	[smem:$0x3FBA] =	sst s10  }
0x32: {  	s10 =	sld [smem:$0x3FB8];
	_ =	sdelay $0x3  }
0x33: {  	p0 =	seq.s32 s10, $0x1;
	s10 =	sld [smem:$0x3FBA];
	_ =	sdelay $0x3  }
0x34: {  	[smem:$0x3FBA] =	sst s10  }
0x35: {  	s10 =	sld [smem:$0x3FB9];
	_ =	sdelay $0x3  }
0x36: {  	p1 =	seq.s32 s10, $0x1;
	s10 =	sld [smem:$0x3FBA];
	_ =	sdelay $0x3  }
0x37: {  	[smem:$0x3FBA] =	sst s10  }
0x38: {  	s10 =	sld [smem:$0x3FBB]  }
0x39: {  	_ = 	snop;
	(pc) =	sbr.ind lr, $3  }
0x3a: {  	_ = 	snop  }
0x3b: {  	_ = 	snop  }
0x3c: {  	p2 =	seq.s32 s10, $0x1;
	s10 =	sld [smem:$0x3FBA]  }
0x3d: {  	_ =	shalt  }
0x3e: {  	_ =	shalt  }
0x3f: {  	_ =	shalt  }
0x40: {  	_ =	shalt  }
0x41: {  	_ =	shalt  }
0x42: {  	_ =	shalt  }
0x43: {  	_ =	shalt  }
0x44: {  	_ =	shalt  }
0x45: {  	_ =	shalt  }
0x46: {  	_ =	shalt  }
0x47: {  	_ =	shalt  }
0x48: {  	_ =	shalt  }
0x49: {  	_ =	shalt  }
0x4a: {  	_ =	shalt  }
0x4b: {  	_ =	shalt  }
0x4c: {  	_ =	shalt  }
0x4d: {  	_ =	shalt  }
0x4e: {  	_ =	shalt  }
0x4f: {  	_ =	shalt  }
0x50: {  	_ =	shalt  }
0x51: {  	_ =	shalt  }
0x52: {  	_ =	shalt  }
0x53: {  	_ =	shalt  }
0x54: {  	_ =	shalt  }
0x55: {  	_ =	shalt  }
0x56: {  	_ =	shalt  }
0x57: {  	_ =	shalt  }
0x58: {  	_ =	shalt  }
0x59: {  	_ =	shalt  }
0x5a: {  	_ =	shalt  }
0x5b: {  	_ =	shalt  }
0x5c: {  	_ =	shalt  }
0x5d: {  	_ =	shalt  }
0x5e: {  	_ =	shalt  }
0x5f: {  	_ =	shalt  }
0x60: {  	_ =	shalt  }
0x61: {  	_ =	shalt  }
0x62: {  	_ =	shalt  }
0x63: {  	_ =	shalt  }
0x64: {  	_ =	shalt  }
0x65: {  	_ =	shalt  }
0x66: {  	_ =	shalt  }
0x67: {  	_ =	shalt  }
0x68: {  	_ =	shalt  }
0x69: {  	_ =	shalt  }
0x6a: {  	_ =	shalt  }
0x6b: {  	_ =	shalt  }
0x6c: {  	_ =	shalt  }
0x6d: {  	_ =	shalt  }
0x6e: {  	_ =	shalt  }
0x6f: {  	_ =	shalt  }
0x70: {  	_ =	shalt  }
0x71: {  	_ =	shalt  }
0x72: {  	_ =	shalt  }
0x73: {  	_ =	shalt  }
0x74: {  	_ =	shalt  }
0x75: {  	_ =	shalt  }
0x76: {  	_ =	shalt  }
0x77: {  	_ =	shalt  }
0x78: {  	_ =	shalt  }
0x79: {  	_ =	shalt  }
0x7a: {  	_ =	shalt  }
0x7b: {  	_ =	shalt  }
0x7c: {  	_ =	shalt  }
0x7d: {  	_ =	shalt  }
0x7e: {  	_ =	shalt  }
0x7f: {  	_ =	shalt  }
0x80: {  	_ =	shalt  }
0x81: {  	_ =	shalt  }
0x82: {  	_ =	shalt  }
0x83: {  	_ =	shalt  }
0x84: {  	_ =	shalt  }
0x85: {  	_ =	shalt  }
0x86: {  	_ =	shalt  }
0x87: {  	_ =	shalt  }
.Lfunc_end0:
.L_simem_size_0:
called_computation.1_lowered:
.L_overlay_start_0:
0x88: {  	s2 =	sld [smem:$0x3FD9]  }
0x89: {  	s3 =	sld [smem:$0x3FFE];
	_ =	sdelay $0x1  }
0x8a: {  	s1 =	srdreg.scid  }
0x8b: {  	s0 =	sand.u32 $0x1, s1  }
0x8c: {  	s17 =	sshll.u32 s0, $0xA;
	s2 =	sadd.s32 s3, s2  }
0x8d: {  	s2 =	sadd.s32 s2, s17  }
0x8e: {  	[smem:$0x3FC6] =	sst s2  }
0x8f: {  	_ = 	snop  }
0x90: {  	s2 =	sld [smem:$0x3FD0];
	(tm) =	ssettm $0x1  }
0x91: {  	s18 =	sld [smem:$0x3FFB];
	_ =	sdelay $0x3  }
0x92: {  	_ =	strace s18  }
0x93: {  	s3 =	sld [smem:$0x3FFC];
	_ =	sdelay $0x3  }
0x94: {  	_ =	strace s3  }
0x95: {  	s3 =	sld [smem:$0x3FFD];
	_ =	sdelay $0x3  }
0x96: {  	_ =	strace s3  }
0x97: {  	_ =	strace $0x8FFFFFFF  }
0x98: {  	s19 =	sld [smem:$0x3FDB];
	_ =	sdelay $0x1  }
0x99: {  	s4 =	simm.s32 $_scs_section_size  }
0x9a: {  	s5 =	simm.s32 $_size__tile_overlayer_lowered;
	s6 =	simm.s32 $_tile_overlayer_lowered  }
0x9b: {  	s22 =	simm.s32 $0x1BFF;
	s21 =	sshll.u32 s6, $0x1;
	s3 =	sadd.s32 s4, s19  }
0x9c: {  	s7 =	simm.s32 $0x0;
	s20 =	sshll.u32 s5, $0x1;
	s5 =	sadd.s32 s21, s3  }
0x9d: {  	[timem:s7], [sflag:s22] =	dma.local [hbm:s5], s20  }
0x9e: {  	_ =	swait.ge [sflag:s22], s20  }
0x9f: {  	s4 =	ssub.s32 $0x0, s20;
	[sflag:s22] =	ssyncset.done $0x0  }
0xa0: {  	[sflag:s22] =	ssyncadd.s32 s4;
	_ =	sdelay $0x1  }
0xa1: {  	s23 =	simm.s32 $0x1B8B  }
0xa2: {  	_ =	swait.ge [sflag:s23], $0x1  }
0xa3: {  	[sflag:s23] =	ssyncset.done $0x0  }
0xa4: {  	s25 =	simm.s32 $0x1B8E;
	s24 =	sld [smem:$0x3FFE];
	[sflag:s23] =	ssyncadd.s32 $0xFFFFFFFF  }
0xa5: {  	s26 =	simm.s32 $execute0_lowered;
	[smem:$0x3FD2] =	sst s25  }
0xa6: {  	s5 =	sshll.u32 s26, $0x1;
	_ =	strace $0x80000046;
	[dreg:$0x1] =	wrdreg $0xFFFFFFFF  }
0xa7: {  	s28 =	simm.s32 $_size_execute0_lowered;
	s3 =	sadd.s32 s3, s5;
	[dreg:$0x0] =	wrdreg $0x0  }
0xa8: {  	s5 =	sshll.u32 s28, $0x1;
	[dreg:$0x2] =	wrdreg s3  }
0xa9: {  	[dreg:$0x3] =	wrdreg s5  }
0xaa: {  	[dreg:$0x4] =	wrdreg $0xC0  }
0xab: {  	_ =	task [dreg:s7], $0x5FFFF  }
0xac: {  	[dreg:$0x1] =	wrdreg $0xFFFFFFFF  }
0xad: {  	[dreg:$0x0] =	wrdreg $0x60  }
0xae: {  	[dreg:$0x2] =	wrdreg s24  }
0xaf: {  	[dreg:$0x3] =	wrdreg s2  }
0xb0: {  	[dreg:$0x4] =	wrdreg $0x9  }
0xb1: {  	_ =	task.clear_ibuf [dreg:s7], $0x5FFFF;
	_ =	strace $0x90000046  }
0xb2: {  	s29 =	simm.s32 $0x9;
	_ =	strace $0x80000048  }
0xb3: {  	_ =	swait.ge [sflag:s29], $0x1  }
0xb4: {  	[sflag:s29] =	ssyncadd.s32 $0xFFFFFFFF  }
0xb5: {  	_ =	strace $0x90000048  }
0xb6: {  	_ =	sfence  }
0xb7: {  	s30 =	sld [smem:$0x0];
	_ =	sdelay $0x2  }
0xb8: {  	s31 =	sshll.u32 s1, $0xD;
	s1 =	sshrl.u32 s1, $0x2  }
0xb9: {  	s3 =	sand.u32 $0x4000, s31;
	s1 =	sadd.s32 s1, s30  }
0xba: {  	s0 =	sor.u32 s3, s0;
	s1 =	sshll.u32 s1, $0x11  }
0xbb: {  	s0 =	sor.u32 s1, s0  }
0xbc: {  	s0 =	sadd.s32 $0x8F2B, s0  }
0xbd: {  	[sflag:s0] =	ssyncadd.remote.s32 $0x1  }
0xbe: {  	_ =	sfence.sel $0xFFFF  }
0xbf: {  	[dreg:$0x0] =	wrdreg $0xFFFFFFFF;
	(pc) =	sbr.abs _section_cstart, $3  }
0xc0: {  	[dreg:$0x1] =	wrdreg $0xFFFFFFFF  }
0xc1: {  	_ =	task.clear_ibuf [dreg:s7], $0x2FFFF;
	_ =	strace $0x9FFFFFFF  }
0xc2: {  	(tm) =	ssettm $0x7FFFFFFF  }
0xc3: {  	_ =	shalt  }
tec
execute0_lowered:
.L_overlay_start_1:
0x0: {  	(tag) =	ssettag $0x1  }
0x1: {  	s1 =	srdreg.scid;
	s3 =	rddreg [dreg:$0x0]  }
0x2: {  	s0 =	stileid.u32;
	s5 =	rddreg [dreg:$0x1];
	s2 =	simm.s32 $0x0  }
0x3: {  	s31 =	simm.s32 $0x8400;
	s12 =	simm.s32 $0xC400;
	s13 =	simm.s32 $0xE400  }
0x4: {  	s14 =	simm.s32 $0x10400;
	s15 =	simm.s32 $0x12400;
	s16 =	simm.s32 $0x14400  }
0x5: {  	s17 =	simm.s32 $0x16400;
	s18 =	simm.s32 $0x18400;
	s19 =	simm.s32 $0x1  }
0x6: {  	s20 =	simm.s32 $0x2;
	s21 =	simm.s32 $0x3;
	s22 =	simm.s32 $0x4  }
0x7: {  	s23 =	simm.s32 $0x0;
	s4 =	sand.u32 $0x1, s1;
	s7 =	smul.u32 $0x190, s0  }
0x8: {  	s26 =	sshll.u32 s0, $0x1;
	s1 =	rddreg [dreg:$0x2];
	s11 =	smul.u32 $0x64000, s0  }
0x9: {  	[smem:$0x7FF] =	sst s2;
	s6 =	sor.u32 s4, s26;
	s8 =	smul.u32 $0xC8, s4  }
0xa: {  	_ =	strace $0x80000047;
	s9 =	ssub.s32 $0x2, s4;
	s29 =	smul.u32 $0x32000, s4  }
0xb: {  	[dreg:$0x3] =	wrdreg s31;
	s6 =	smul.u32 $0xC80, s6;
	s10 =	sshrl.u32 s9, $0x1  }
0xc: {  	s30 =	sadd.s32 s11, s5;
	s11 =	simm.s32 $0xA400;
	s7 =	sadd.s32 s8, s7  }
0xd: {  	s28 =	ssub.s32 s9, s10;
	s8 =	simm.s32 $0x5;
	s9 =	simm.s32 $0x80  }
0xe: {  	s10 =	simm.s32 $0x6400;
	s6 =	sadd.s32 s6, s3;
	s7 =	sshll.u32 s7, $0xA  }
0xf: {  	s3 =	sadd.s32 $0xF42E00, s3;
	s4 =	sadd.s32 $0xA00, s6;
	s7 =	sadd.s32 s7, s5  }
0x10: {  	s5 =	smax.u32 s28, $0x1;
	s6 =	sadd.s32 s29, s30;
	s7 =	sadd.s32 $0x1400, s7  }
.LBB2_1:
0x11: {  	[tilespmem:s2], [sflag:$0x5] =	stream.linear.gather [hbm4b:s4+s2], $0x6400, $0x38;
	[tilespmem:$0x1A400] =	vst v63  }
0x12: {  	_ =	swait.ge [sflag:s8], $0x6400  }
0x13: {  	[sflag:s8] =	ssyncset.done $0x0  }
0x14: {  	s24 =	simm.s32 $0x0;
	[sflag:s8] =	ssyncadd.s32 $0xFFFF9C00  }
0x15: {  	[tilespmem:s10], [sflag:$0x1] =	stream.indirect.gather [hbm4b:s3+s9], $0x40, s24, s9, $0xb8;
	[tilespmem:$0x1A400] =	vst v63  }
0x16: {  	s26 =	simm.s32 $0x80;
	s25 =	rddreg [dreg:$0x3]  }
0x17: {  	[tilespmem:s25], [sflag:$0x1] =	stream.indirect.gather [hbm4b:s3+s9], $0x40, s26, s9, $0xb8;
	[tilespmem:$0x1A400] =	vst v63  }
0x18: {  	s29 =	simm.s32 $0x100  }
0x19: {  	[tilespmem:s11], [sflag:$0x1] =	stream.indirect.gather [hbm4b:s3+s9], $0x40, s29, s9, $0xb8;
	[tilespmem:$0x1A400] =	vst v63  }
0x1a: {  	s30 =	simm.s32 $0x180  }
0x1b: {  	[tilespmem:s12], [sflag:$0x1] =	stream.indirect.gather [hbm4b:s3+s9], $0x40, s30, s9, $0xb8;
	[tilespmem:$0x1A400] =	vst v63  }
0x1c: {  	s31 =	simm.s32 $0x200  }
0x1d: {  	[tilespmem:s13], [sflag:$0x1] =	stream.indirect.gather [hbm4b:s3+s9], $0x40, s31, s9, $0xb8;
	[tilespmem:$0x1A400] =	vst v63  }
0x1e: {  	s25 =	simm.s32 $0x280  }
0x1f: {  	[tilespmem:s14], [sflag:$0x2] =	stream.indirect.gather [hbm4b:s3+s9], $0x40, s25, s9, $0xb8;
	[tilespmem:$0x1A400] =	vst v63  }
0x20: {  	s26 =	simm.s32 $0x300  }
0x21: {  	[tilespmem:s15], [sflag:$0x2] =	stream.indirect.gather [hbm4b:s3+s9], $0x40, s26, s9, $0xb8;
	[tilespmem:$0x1A400] =	vst v63  }
0x22: {  	s29 =	simm.s32 $0x380  }
0x23: {  	[tilespmem:s16], [sflag:$0x2] =	stream.indirect.gather [hbm4b:s3+s9], $0x40, s29, s9, $0xb8;
	[tilespmem:$0x1A400] =	vst v63  }
0x24: {  	s30 =	simm.s32 $0x400  }
0x25: {  	[tilespmem:s17], [sflag:$0x2] =	stream.indirect.gather [hbm4b:s3+s9], $0x40, s30, s9, $0xb8;
	[tilespmem:$0x1A400] =	vst v63  }
0x26: {  	s31 =	simm.s32 $0x480  }
0x27: {  	[tilespmem:s18], [sflag:$0x2] =	stream.indirect.gather [hbm4b:s3+s9], $0x40, s31, s9, $0xb8;
	[tilespmem:$0x1A400] =	vst v63  }
0x28: {  	_ =	swait.ge [sflag:s19], $0x2000  }
0x29: {  	[sflag:s19] =	ssyncset.done $0x0  }
0x2a: {  	[sflag:s19] =	ssyncadd.s32 $0xFFFFE000  }
0x2b: {  	_ =	swait.ge [sflag:s19], $0x2000  }
0x2c: {  	[sflag:s19] =	ssyncset.done $0x0  }
0x2d: {  	[sflag:s19] =	ssyncadd.s32 $0xFFFFE000  }
0x2e: {  	_ =	swait.ge [sflag:s19], $0x2000  }
0x2f: {  	[sflag:s19] =	ssyncset.done $0x0  }
0x30: {  	[sflag:s19] =	ssyncadd.s32 $0xFFFFE000  }
0x31: {  	_ =	swait.ge [sflag:s19], $0x2000  }
0x32: {  	[sflag:s19] =	ssyncset.done $0x0  }
0x33: {  	[sflag:s19] =	ssyncadd.s32 $0xFFFFE000  }
0x34: {  	_ =	swait.ge [sflag:s19], $0x2000  }
0x35: {  	[sflag:s19] =	ssyncset.done $0x0  }
0x36: {  	[sflag:s19] =	ssyncadd.s32 $0xFFFFE000  }
0x37: {  	[hbm4b:s6+s2] =	stream.linear.scatter [tilespmem:s10], [sflag:$0x3], $0xA000, $0x38;
	[tilespmem:$0x1A400] =	vst v63  }
0x38: {  	_ =	swait.ge [sflag:s20], $0x2000  }
0x39: {  	[sflag:s20] =	ssyncset.done $0x0  }
0x3a: {  	[sflag:s20] =	ssyncadd.s32 $0xFFFFE000  }
0x3b: {  	_ =	swait.ge [sflag:s20], $0x2000  }
0x3c: {  	[sflag:s20] =	ssyncset.done $0x0  }
0x3d: {  	[sflag:s20] =	ssyncadd.s32 $0xFFFFE000  }
0x3e: {  	_ =	swait.ge [sflag:s20], $0x2000  }
0x3f: {  	[sflag:s20] =	ssyncset.done $0x0  }
0x40: {  	[sflag:s20] =	ssyncadd.s32 $0xFFFFE000  }
0x41: {  	_ =	swait.ge [sflag:s20], $0x2000  }
0x42: {  	[sflag:s20] =	ssyncset.done $0x0  }
0x43: {  	[sflag:s20] =	ssyncadd.s32 $0xFFFFE000  }
0x44: {  	_ =	swait.ge [sflag:s20], $0x2000  }
0x45: {  	[sflag:s20] =	ssyncset.done $0x0  }
0x46: {  	[sflag:s20] =	ssyncadd.s32 $0xFFFFE000  }
0x47: {  	[hbm4b:s7+s2] =	stream.linear.scatter [tilespmem:s14], [sflag:$0x4], $0xA000, $0x38;
	[tilespmem:$0x1A400] =	vst v63  }
0x48: {  	_ =	swait.ge [sflag:s21], $0xA000  }
0x49: {  	[sflag:s21] =	ssyncset.done $0x0  }
0x4a: {  	[sflag:s21] =	ssyncadd.s32 $0xFFFF6000  }
0x4b: {  	s28 =	simm.s32 $0x1400;
	s24 =	sadd.s32 $0x2800, s7;
	_ =	swait.ge [sflag:s22], $0xA000  }
0x4c: {  	s25 =	sadd.s32 $0x2800, s6;
	s26 =	simm.s32 $0x2800;
	[sflag:s22] =	ssyncset.done $0x0  }
.LBB2_2:
0x4d: {  	s29 =	sshra.s32 s28, $0x2;
	[sflag:s22] =	ssyncadd.s32 $0xFFFF6000  }
0x4e: {  	[tilespmem:s10], [sflag:$0x1] =	stream.indirect.gather [hbm4b:s3+s9], $0x40, s29, s9, $0xb8;
	[tilespmem:$0x1A400] =	vst v63  }
0x4f: {  	s30 =	rddreg [dreg:$0x3];
	s31 =	sadd.s32 $0x80, s29  }
0x50: {  	[tilespmem:s30], [sflag:$0x1] =	stream.indirect.gather [hbm4b:s3+s9], $0x40, s31, s9, $0xb8;
	[tilespmem:$0x1A400] =	vst v63  }
0x51: {  	s31 =	sadd.s32 $0x100, s29  }
0x52: {  	[tilespmem:s11], [sflag:$0x1] =	stream.indirect.gather [hbm4b:s3+s9], $0x40, s31, s9, $0xb8;
	[tilespmem:$0x1A400] =	vst v63  }
0x53: {  	s31 =	sadd.s32 $0x180, s29  }
0x54: {  	[tilespmem:s12], [sflag:$0x1] =	stream.indirect.gather [hbm4b:s3+s9], $0x40, s31, s9, $0xb8;
	[tilespmem:$0x1A400] =	vst v63  }
0x55: {  	s31 =	sadd.s32 $0x200, s29  }
0x56: {  	[tilespmem:s13], [sflag:$0x1] =	stream.indirect.gather [hbm4b:s3+s9], $0x40, s31, s9, $0xb8;
	[tilespmem:$0x1A400] =	vst v63  }
0x57: {  	s31 =	sadd.s32 $0x280, s29  }
0x58: {  	[tilespmem:s14], [sflag:$0x2] =	stream.indirect.gather [hbm4b:s3+s9], $0x40, s31, s9, $0xb8;
	[tilespmem:$0x1A400] =	vst v63  }
0x59: {  	s31 =	sadd.s32 $0x300, s29  }
0x5a: {  	[tilespmem:s15], [sflag:$0x2] =	stream.indirect.gather [hbm4b:s3+s9], $0x40, s31, s9, $0xb8;
	[tilespmem:$0x1A400] =	vst v63  }
0x5b: {  	s31 =	sadd.s32 $0x380, s29  }
0x5c: {  	[tilespmem:s16], [sflag:$0x2] =	stream.indirect.gather [hbm4b:s3+s9], $0x40, s31, s9, $0xb8;
	[tilespmem:$0x1A400] =	vst v63  }
0x5d: {  	s31 =	sadd.s32 $0x400, s29  }
0x5e: {  	[tilespmem:s17], [sflag:$0x2] =	stream.indirect.gather [hbm4b:s3+s9], $0x40, s31, s9, $0xb8;
	[tilespmem:$0x1A400] =	vst v63  }
0x5f: {  	s29 =	sadd.s32 $0x480, s29  }
0x60: {  	[tilespmem:s18], [sflag:$0x2] =	stream.indirect.gather [hbm4b:s3+s9], $0x40, s29, s9, $0xb8;
	[tilespmem:$0x1A400] =	vst v63  }
0x61: {  	_ =	swait.ge [sflag:s19], $0x2000  }
0x62: {  	[sflag:s19] =	ssyncset.done $0x0  }
0x63: {  	[sflag:s19] =	ssyncadd.s32 $0xFFFFE000  }
0x64: {  	_ =	swait.ge [sflag:s19], $0x2000  }
0x65: {  	[sflag:s19] =	ssyncset.done $0x0  }
0x66: {  	[sflag:s19] =	ssyncadd.s32 $0xFFFFE000  }
0x67: {  	_ =	swait.ge [sflag:s19], $0x2000  }
0x68: {  	[sflag:s19] =	ssyncset.done $0x0  }
0x69: {  	[sflag:s19] =	ssyncadd.s32 $0xFFFFE000  }
0x6a: {  	_ =	swait.ge [sflag:s19], $0x2000  }
0x6b: {  	[sflag:s19] =	ssyncset.done $0x0  }
0x6c: {  	[sflag:s19] =	ssyncadd.s32 $0xFFFFE000  }
0x6d: {  	_ =	swait.ge [sflag:s19], $0x2000  }
0x6e: {  	[sflag:s19] =	ssyncset.done $0x0  }
0x6f: {  	[sflag:s19] =	ssyncadd.s32 $0xFFFFE000  }
0x70: {  	[hbm4b:s25+s2] =	stream.linear.scatter [tilespmem:s10], [sflag:$0x3], $0xA000, $0x38;
	[tilespmem:$0x1A400] =	vst v63  }
0x71: {  	_ =	swait.ge [sflag:s20], $0x2000  }
0x72: {  	[sflag:s20] =	ssyncset.done $0x0  }
0x73: {  	[sflag:s20] =	ssyncadd.s32 $0xFFFFE000  }
0x74: {  	_ =	swait.ge [sflag:s20], $0x2000  }
0x75: {  	[sflag:s20] =	ssyncset.done $0x0  }
0x76: {  	[sflag:s20] =	ssyncadd.s32 $0xFFFFE000  }
0x77: {  	_ =	swait.ge [sflag:s20], $0x2000  }
0x78: {  	[sflag:s20] =	ssyncset.done $0x0  }
0x79: {  	[sflag:s20] =	ssyncadd.s32 $0xFFFFE000  }
0x7a: {  	_ =	swait.ge [sflag:s20], $0x2000  }
0x7b: {  	[sflag:s20] =	ssyncset.done $0x0  }
0x7c: {  	[sflag:s20] =	ssyncadd.s32 $0xFFFFE000  }
0x7d: {  	_ =	swait.ge [sflag:s20], $0x2000  }
0x7e: {  	[sflag:s20] =	ssyncset.done $0x0  }
0x7f: {  	p0 =	sne.s32 s26, $0x17C00;
	[sflag:s20] =	ssyncadd.s32 $0xFFFFE000  }
0x80: {  	[hbm4b:s24+s2] =	stream.linear.scatter [tilespmem:s14], [sflag:$0x4], $0xA000, $0x38;
	[tilespmem:$0x1A400] =	vst v63  }
.Ltmp0:
0x81: {  	_ =	swait.ge [sflag:s21], $0xA000;
	(pc) =	sbr.rel @p0 .LBB2_2-.Ltmp0, $4  }
0x82: {  	[sflag:s21] =	ssyncset.done $0x0  }
0x83: {  	[sflag:s21] =	ssyncadd.s32 $0xFFFF6000  }
0x84: {  	s28 =	smov.u32 s26;
	s26 =	sadd.s32 $0x1400, s26;
	_ =	swait.ge [sflag:s22], $0xA000  }
0x85: {  	s25 =	sadd.s32 $0x2800, s25;
	s24 =	sadd.s32 $0x2800, s24;
	[sflag:s22] =	ssyncset.done $0x0  }
0x86: {  	s26 =	sshra.s32 s28, $0x2;
	[sflag:s22] =	ssyncadd.s32 $0xFFFF6000  }
0x87: {  	[tilespmem:s10], [sflag:$0x1] =	stream.indirect.gather [hbm4b:s3+s9], $0x40, s26, s9, $0xb8;
	[tilespmem:$0x1A400] =	vst v63  }
0x88: {  	s30 =	rddreg [dreg:$0x3];
	s29 =	sadd.s32 $0x80, s26  }
0x89: {  	[tilespmem:s30], [sflag:$0x1] =	stream.indirect.gather [hbm4b:s3+s9], $0x40, s29, s9, $0xb8;
	[tilespmem:$0x1A400] =	vst v63  }
0x8a: {  	s31 =	sadd.s32 $0x100, s26  }
0x8b: {  	[tilespmem:s11], [sflag:$0x1] =	stream.indirect.gather [hbm4b:s3+s9], $0x40, s31, s9, $0xb8;
	[tilespmem:$0x1A400] =	vst v63  }
0x8c: {  	s29 =	sadd.s32 $0x180, s26  }
0x8d: {  	[tilespmem:s12], [sflag:$0x1] =	stream.indirect.gather [hbm4b:s3+s9], $0x40, s29, s9, $0xb8;
	[tilespmem:$0x1A400] =	vst v63  }
0x8e: {  	s30 =	sadd.s32 $0x200, s26  }
0x8f: {  	[tilespmem:s13], [sflag:$0x1] =	stream.indirect.gather [hbm4b:s3+s9], $0x40, s30, s9, $0xb8;
	[tilespmem:$0x1A400] =	vst v63  }
0x90: {  	s31 =	sadd.s32 $0x280, s26  }
0x91: {  	[tilespmem:s14], [sflag:$0x2] =	stream.indirect.gather [hbm4b:s3+s9], $0x40, s31, s9, $0xb8;
	[tilespmem:$0x1A400] =	vst v63  }
0x92: {  	s29 =	sadd.s32 $0x300, s26  }
0x93: {  	[tilespmem:s15], [sflag:$0x2] =	stream.indirect.gather [hbm4b:s3+s9], $0x40, s29, s9, $0xb8;
	[tilespmem:$0x1A400] =	vst v63  }
0x94: {  	s30 =	sadd.s32 $0x380, s26  }
0x95: {  	[tilespmem:s16], [sflag:$0x2] =	stream.indirect.gather [hbm4b:s3+s9], $0x40, s30, s9, $0xb8;
	[tilespmem:$0x1A400] =	vst v63  }
0x96: {  	s31 =	sadd.s32 $0x400, s26  }
0x97: {  	[tilespmem:s17], [sflag:$0x2] =	stream.indirect.gather [hbm4b:s3+s9], $0x40, s31, s9, $0xb8;
	[tilespmem:$0x1A400] =	vst v63  }
0x98: {  	s26 =	sadd.s32 $0x480, s26  }
0x99: {  	[tilespmem:s18], [sflag:$0x2] =	stream.indirect.gather [hbm4b:s3+s9], $0x40, s26, s9, $0xb8;
	[tilespmem:$0x1A400] =	vst v63  }
0x9a: {  	_ =	swait.ge [sflag:s19], $0x2000  }
0x9b: {  	[sflag:s19] =	ssyncset.done $0x0  }
0x9c: {  	[sflag:s19] =	ssyncadd.s32 $0xFFFFE000  }
0x9d: {  	_ =	swait.ge [sflag:s19], $0x2000  }
0x9e: {  	[sflag:s19] =	ssyncset.done $0x0  }
0x9f: {  	[sflag:s19] =	ssyncadd.s32 $0xFFFFE000  }
0xa0: {  	_ =	swait.ge [sflag:s19], $0x2000  }
0xa1: {  	[sflag:s19] =	ssyncset.done $0x0  }
0xa2: {  	[sflag:s19] =	ssyncadd.s32 $0xFFFFE000  }
0xa3: {  	_ =	swait.ge [sflag:s19], $0x2000  }
0xa4: {  	[sflag:s19] =	ssyncset.done $0x0  }
0xa5: {  	[sflag:s19] =	ssyncadd.s32 $0xFFFFE000  }
0xa6: {  	_ =	swait.ge [sflag:s19], $0x2000  }
0xa7: {  	[sflag:s19] =	ssyncset.done $0x0  }
0xa8: {  	[sflag:s19] =	ssyncadd.s32 $0xFFFFE000  }
0xa9: {  	[hbm4b:s25+s2] =	stream.linear.scatter [tilespmem:s10], [sflag:$0x3], $0xA000, $0x38;
	[tilespmem:$0x1A400] =	vst v63  }
0xaa: {  	_ =	swait.ge [sflag:s20], $0x2000  }
0xab: {  	[sflag:s20] =	ssyncset.done $0x0  }
0xac: {  	[sflag:s20] =	ssyncadd.s32 $0xFFFFE000  }
0xad: {  	_ =	swait.ge [sflag:s20], $0x2000  }
0xae: {  	[sflag:s20] =	ssyncset.done $0x0  }
0xaf: {  	[sflag:s20] =	ssyncadd.s32 $0xFFFFE000  }
0xb0: {  	_ =	swait.ge [sflag:s20], $0x2000  }
0xb1: {  	[sflag:s20] =	ssyncset.done $0x0  }
0xb2: {  	[sflag:s20] =	ssyncadd.s32 $0xFFFFE000  }
0xb3: {  	_ =	swait.ge [sflag:s20], $0x2000  }
0xb4: {  	[sflag:s20] =	ssyncset.done $0x0  }
0xb5: {  	[sflag:s20] =	ssyncadd.s32 $0xFFFFE000  }
0xb6: {  	_ =	swait.ge [sflag:s20], $0x2000  }
0xb7: {  	[sflag:s20] =	ssyncset.done $0x0  }
0xb8: {  	s23 =	sadd.s32 $0x1, s23;
	[sflag:s20] =	ssyncadd.s32 $0xFFFFE000  }
0xb9: {  	[hbm4b:s24+s2] =	stream.linear.scatter [tilespmem:s14], [sflag:$0x4], $0xA000, $0x38;
	[tilespmem:$0x1A400] =	vst v63  }
0xba: {  	p0 =	sne.s32 s23, s5;
	_ =	swait.ge [sflag:s21], $0xA000  }
.Ltmp1:
0xbb: {  	[sflag:s21] =	ssyncset.done $0x0;
	(pc) =	sbr.rel @p0 .LBB2_1-.Ltmp1, $4  }
0xbc: {  	[sflag:s21] =	ssyncadd.s32 $0xFFFF6000  }
0xbd: {  	_ =	swait.ge [sflag:s22], $0xA000  }
0xbe: {  	[sflag:s22] =	ssyncset.done $0x0  }
0xbf: {  	[sflag:s22] =	ssyncadd.s32 $0xFFFF6000  }
0xc0: {  	_ =	sfence.sel $0x180000  }
0xc1: {  	[bflag:$0x0] =	sbarrier.arrive $0xFFFF  }
0xc2: {  	p0 =	sne.s32 s0, $0x0;
	_ =	strace $0x90000047  }
0xc3: {  	s0 =	sadd.s32 @!p0 $0x100000, s1;
	[bflag:$0x2] =	sbarrier.arrive $0xFFFF  }
0xc4: {  	[sflag:s0] =	ssyncadd.tile.s32 @!p0 $0x1;
	_ =	shalt  }
.Lfunc_end2:
_tile_overlayer_lowered:
.L_overlay_start_2:
0xc5: {  	(tag) =	ssettag $0x2  }
0xc6: {  	s0 =	rddreg [dreg:$0x0];
	s2 =	stileid.u32  }
0xc7: {  	s1 =	rddreg [dreg:$0x1];
	p0 =	sne.s32 s2, $0x0  }
0xc8: {  	s3 =	rddreg [dreg:$0x2];
	[bflag:$0x3] =	sbarrier.arrive $0xFFFF;
	s2 =	simm.s32 @!p0 $0x1C05  }
0xc9: {  	[timem:s3], [sflag:s2] =	dma.local @!p0 [hbm:s0], s1  }
0xca: {  	s0 =	simm.s32 @!p0 $0x5  }
0xcb: {  	_ =	swait.ge @!p0 [sflag:s0], s1  }
0xcc: {  	s1 =	ssub.s32 @!p0 $0x0, s1;
	[sflag:s0] =	ssyncset.done @!p0 $0x0  }
0xcd: {  	[sflag:s0] =	ssyncadd.s32 @!p0 s1  }
0xce: {  	[bflag:$0x3] =	sbarrier.arrive $0xFFFF  }
0xcf: {  	_ =	shalt  }

// kernel: sparse-core-data-format-call.cloned.1.call-start
scs
called_computation_lowered:
.L_overlay_start_0:
0x0: {  	s2 =	sld [smem:$0x3FD9]  }
0x1: {  	s3 =	sld [smem:$0x3FFE];
	_ =	sdelay $0x1  }
0x2: {  	s1 =	srdreg.scid  }
0x3: {  	s0 =	sand.u32 $0x1, s1  }
0x4: {  	s18 =	sshll.u32 s0, $0xA;
	s2 =	sadd.s32 s3, s2  }
0x5: {  	s2 =	sadd.s32 s2, s18  }
0x6: {  	[smem:$0x3FC6] =	sst s2  }
0x7: {  	_ = 	snop  }
0x8: {  	s2 =	sld [smem:$0x3FD0];
	(tm) =	ssettm $0x1  }
0x9: {  	s19 =	sld [smem:$0x3FFB];
	_ =	sdelay $0x3  }
0xa: {  	_ =	strace s19  }
0xb: {  	s3 =	sld [smem:$0x3FFC];
	_ =	sdelay $0x3  }
0xc: {  	_ =	strace s3  }
0xd: {  	s3 =	sld [smem:$0x3FFD];
	_ =	sdelay $0x3  }
0xe: {  	_ =	strace s3  }
0xf: {  	_ =	strace $0x8FFFFFFF  }
0x10: {  	s20 =	sld [smem:$0x3FDB];
	_ =	sdelay $0x1  }
0x11: {  	s4 =	simm.s32 $_scs_section_size  }
0x12: {  	s5 =	simm.s32 $_size__tile_overlayer_lowered;
	s6 =	simm.s32 $_tile_overlayer_lowered  }
0x13: {  	s23 =	simm.s32 $0x1BFF;
	s22 =	sshll.u32 s6, $0x1;
	s3 =	sadd.s32 s4, s20  }
0x14: {  	s7 =	simm.s32 $0x0;
	s21 =	sshll.u32 s5, $0x1;
	s5 =	sadd.s32 s22, s3  }
0x15: {  	[timem:s7], [sflag:s23] =	dma.local [hbm:s5], s21  }
0x16: {  	_ =	swait.ge [sflag:s23], s21  }
0x17: {  	s4 =	ssub.s32 $0x0, s21;
	[sflag:s23] =	ssyncset.done $0x0  }
0x18: {  	[sflag:s23] =	ssyncadd.s32 s4;
	_ =	sdelay $0x1  }
0x19: {  	s24 =	simm.s32 $0x1B8B  }
0x1a: {  	_ =	swait.ge [sflag:s24], $0x1  }
0x1b: {  	[sflag:s24] =	ssyncset.done $0x0  }
0x1c: {  	s26 =	simm.s32 $0x1B8E;
	s25 =	sld [smem:$0x3FFE];
	[sflag:s24] =	ssyncadd.s32 $0xFFFFFFFF  }
0x1d: {  	s27 =	simm.s32 $execute0_lowered;
	[smem:$0x3FD2] =	sst s26  }
0x1e: {  	s5 =	sshll.u32 s27, $0x1;
	_ =	strace $0x80000049;
	[dreg:$0x1] =	wrdreg $0xFFFFFFFF  }
0x1f: {  	s28 =	simm.s32 $_size_execute0_lowered;
	s3 =	sadd.s32 s3, s5;
	[dreg:$0x0] =	wrdreg $0x0  }
0x20: {  	s5 =	sshll.u32 s28, $0x1;
	[dreg:$0x2] =	wrdreg s3  }
0x21: {  	[dreg:$0x3] =	wrdreg s5  }
0x22: {  	[dreg:$0x4] =	wrdreg $0xC0  }
0x23: {  	_ =	task [dreg:s7], $0x5FFFF  }
0x24: {  	[dreg:$0x1] =	wrdreg $0xFFFFFFFF  }
0x25: {  	[dreg:$0x0] =	wrdreg $0x60  }
0x26: {  	[dreg:$0x2] =	wrdreg s25  }
0x27: {  	[dreg:$0x3] =	wrdreg s2  }
0x28: {  	[dreg:$0x4] =	wrdreg $0x9  }
0x29: {  	_ =	task.clear_ibuf [dreg:s7], $0x5FFFF;
	_ =	strace $0x90000049  }
0x2a: {  	s29 =	simm.s32 $0x9;
	_ =	strace $0x8000004B  }
0x2b: {  	_ =	swait.ge [sflag:s29], $0x1  }
0x2c: {  	[sflag:s29] =	ssyncadd.s32 $0xFFFFFFFF  }
0x2d: {  	_ =	strace $0x9000004B  }
0x2e: {  	_ =	sfence  }
0x2f: {  	s30 =	sld [smem:$0x0];
	_ =	sdelay $0x2  }
0x30: {  	s31 =	sshll.u32 s1, $0xD;
	s1 =	sshrl.u32 s1, $0x2  }
0x31: {  	s3 =	sand.u32 $0x4000, s31;
	s1 =	sadd.s32 s1, s30  }
0x32: {  	s0 =	sor.u32 s3, s0;
	s1 =	sshll.u32 s1, $0x11  }
0x33: {  	s0 =	sor.u32 s1, s0  }
0x34: {  	s0 =	sadd.s32 $0x8F2B, s0  }
0x35: {  	[sflag:s0] =	ssyncadd.remote.s32 $0x1  }
0x36: {  	_ =	sfence.sel $0xFFFF  }
0x37: {  	[dreg:$0x0] =	wrdreg $0xFFFFFFFF;
	(pc) =	sbr.abs _section_cstart, $3  }
0x38: {  	[dreg:$0x1] =	wrdreg $0xFFFFFFFF  }
0x39: {  	_ =	task.clear_ibuf [dreg:s7], $0x2FFFF;
	_ =	strace $0x9FFFFFFF  }
0x3a: {  	(tm) =	ssettm $0x7FFFFFFF  }
0x3b: {  	_ =	shalt  }
tec
execute0_lowered:
.L_overlay_start_1:
0x0: {  	(tag) =	ssettag $0x1  }
0x1: {  	s0 =	srdreg.scid  }
0x2: {  	s1 =	sshll.u32 s0, $0x4  }
0x3: {  	s0 =	stileid.u32;
	s1 =	sand.u32 $0x10, s1  }
0x4: {  	s1 =	sor.u32 s0, s1  }
0x5: {  	s6 =	rddreg [dreg:$0x0];
	s4 =	simm.s32 $0x1;
	s2 =	sshll.u32 s1, $0x7  }
0x6: {  	s7 =	simm.s32 $0x2;
	s12 =	simm.s32 $0x0;
	s1 =	ssub.s32 $0x1000, s2  }
0x7: {  	s8 =	simm.s32 $0x8000;
	s13 =	simm.s32 $0x0;
	s3 =	sand.u32 $0xF80, s1  }
0x8: {  	s9 =	simm.s32 $0x0;
	s5 =	sshrl.u32 s1, $0xC;
	p0 =	sne.s32 s3, $0x0  }
.Ltmp0:
0x9: {  	s1 =	rddreg [dreg:$0x2];
	s4 =	simm.s32 @!p0 $0x0;
	(pc) =	sbr.rel .LBB1_1-.Ltmp0, $4  }
0xa: {  	s11 =	simm.s32 $0x0;
	s3 =	rddreg [dreg:$0x1];
	s5 =	sadd.s32 s4, s5  }
0xb: {  	_ =	strace $0x8000004A;
	s4 =	simm.s32 $0x1;
	s5 =	smul.u32 $0xC8, s5  }
0xc: {  	s6 =	sadd.s32 $0xA00, s6;
	s10 =	smov.u32 s2;
	[sflag:s4] =	ssyncpa.u1 $0x0  }
0xd: {  	p0 =	por $0x0, $0x0;
	[sflag:s7] =	ssyncpa.u1 $0x0;
	s7 =	sor.u32 $0x1, s5  }
.LBB1_4:
0xe: {  	s16 =	sshll.u32 s13, $0x3;
	s17 =	sand.u32 $0x78, s13  }
0xf: {  	s30 =	sand.u32 $0x7E00, s13;
	s12 =	sshll.u32 s12, $0xF;
	s16 =	sand.u32 $0xC00, s16  }
0x10: {  	[tilespmem:s15+$0x810 ss:$0x81] =	vst.msk $0xffff, v2;
	s31 =	sand.u32 $0x7, s13;
	s16 =	sor.u32 s17, s16;
	s17 =	sadd.s32 s3, s30  }
0x11: {  	[tilespmem:s15+$0x1020 ss:$0x81] =	vst.msk $0xffff, v0;
	s13 =	sshll.u32 s31, $0x12;
	s12 =	sadd.s32 s12, s17;
	s16 =	sshrl.u32 s16, $0x3  }
0x12: {  	[tilespmem:s15+$0x0 ss:$0x81] =	vst.msk $0xffff, v1;
	s13 =	sor.u32 $0x400, s13;
	s12 =	sadd.s32 s16, s12  }
0x13: {  	[hbm4b:s12+s13] =	stream.strided.scatter [tilespmem:s14], [sflag:$0x2], $0x2000, s8, s13, $0x20;
	[tilespmem:$0x8080] =	vst v63  }
.LBB1_5:
0x14: {  	s14 =	sadd.s32 $0x1, s9  }
0x15: {  	s12 =	sadd.s32 $0x1000, s10;
	s16 =	smov.u32 s10;
	p2 =	sgt.s32 s14, $0xC7  }
0x16: {  	s16 =	smov.u32 @p2 s12  }
0x17: {  	s14 =	simm.s32 @p2 $0x0;
	p2 =	sgt.s32 s16, $0xFFF  }
0x18: {  	s16 =	smov.u32 @p2 s2;
	p2 =	sne.s32 s11, s7  }
.Ltmp1:
0x19: {  	p1 =	slt.u32 s11, $0x2;
	(pc) =	sbr.rel @!p2 .LBB1_6-.Ltmp1, $4  }
0x1a: {  	s15 =	simm.s32 @!p1 $0x2  }
0x1b: {  	s13 =	smov.u32 s10;
	p0 =	por !p0, !p0;
	_ =	swait.ge @!p1 [sflag:s15], $0x2000  }
0x1c: {  	s12 =	smov.u32 s9;
	[sflag:s15] =	ssyncset.done @!p1 $0x0;
	s9 =	smov.u32 s14  }
0x1d: {  	s11 =	sadd.s32 $0x1, s11;
	[sflag:s15] =	ssyncadd.s32 @!p1 $0xFFFFE000;
	s10 =	smov.u32 s16  }
.LBB1_1:
0x1e: {  	p1 =	sge.u32 s11, s5  }
0x1f: {  	s14 =	sand.u32 @!p1 $0x1FFFFFF, s9  }
0x20: {  	s15 =	smulhi.u32 @!p1 $0x147AE15, s14;
	_ =	sdelay $0x1  }
0x21: {  	s15 =	smul.u32 @!p1 $0xC8, s15  }
0x22: {  	s16 =	sxor.u32 @!p1 $0xFFFFFFFF, s11;
	s17 =	smul.u32 @!p1 $0xC80, s10  }
0x23: {  	s31 =	sadd.s32 $0xFFFFFFFF, s11;
	s16 =	sshll.u32 @!p1 s16, $0xD;
	s14 =	ssub.s32 @!p1 s14, s15  }
0x24: {  	s15 =	sand.u32 @!p1 $0x2000, s16;
	s16 =	sadd.s32 @!p1 s6, s17;
	s14 =	sshll.u32 @!p1 s14, $0x4  }
0x25: {  	s17 =	simm.s32 @!p1 $0x6400;
	s14 =	sadd.s32 @!p1 s14, s16;
	s16 =	simm.s32 @!p1 $0x40  }
0x26: {  	[tilespmem:s15], [sflag:$0x1] =	stream.strided.gather @!p1 [hbm4b:s14+s16], $0x2000, s17, s16, $0x38;
	[tilespmem:$0x8080] =	vst v63  }
0x27: {  	p1 =	sge.u32 s31, s5  }
.Ltmp2:
0x28: {  	_ = 	snop;
	(pc) =	sbr.rel @p1 .LBB1_5-.Ltmp2, $1  }
0x29: {  	_ =	sdelay $0x3  }
0x2a: {  	s14 =	simm.s32 $0x1  }
0x2b: {  	_ =	swait.ge [sflag:s4], $0x2000;
	s14 =	simm.s32 @!p0 $0x0  }
0x2c: {  	[sflag:s4] =	ssyncset.done $0x0;
	s15 =	sshll.u32 s14, $0xD  }
0x2d: {  	[sflag:s4] =	ssyncadd.s32 $0xFFFFE000;
	s18 =	sor.u32 $0x20, s15  }
0x2e: {  	s14 =	smul.u32 $0x8100, s14;
	v3 =	vld [tilespmem:s18+$0x10]  }
0x2f: {  	s30 =	sand.u32 $0x1, s11;
	v2 =	vld [tilespmem:s18+$0xFFFFFFF0]  }
0x30: {  	s15 =	smul.u32 $0x8100, s30;
	s14 =	sshrl.u32 s14, $0x2;
	v0 =	vld [tilespmem:s18+$0x0]  }
0x31: {  	v1 =	vld [tilespmem:s18+$0xFFFFFFE0];
	s16 =	sor.u32 $0x4000, s14  }
0x32: {  	s31 =	sshrl.u32 s15, $0x2;
	s15 =	sadd.s32 $0x0, s16  }
0x33: {  	s17 =	simm.s32 $0x4;
	s18 =	sadd.s32 $0x40, s18;
	s14 =	sor.u32 $0x4000, s31;
	[tilespmem:s15+$0x1830 ss:$0x81] =	vst.msk $0xffff, v3  }
.LBB1_3:
0x34: {  	v3 =	vld [tilespmem:s18+$0x10];
	p1 =	sne.s32 s17, $0x1FC;
	[tilespmem:s15+$0x810 ss:$0x81] =	vst.msk $0xffff, v2;
	s19 =	smov.u32 s17;
	s17 =	sadd.s32 $0x4, s17  }
.Ltmp3:
0x35: {  	v2 =	vld [tilespmem:s18+$0xFFFFFFF0];
	[tilespmem:s15+$0x1020 ss:$0x81] =	vst.msk $0xffff, v0;
	(pc) =	sbr.rel @p1 .LBB1_3-.Ltmp3, $4  }
0x36: {  	v0 =	vld [tilespmem:s18+$0x0];
	[tilespmem:s15+$0x0 ss:$0x81] =	vst.msk $0xffff, v1  }
0x37: {  	s15 =	sshra.s32 s19, $0x2;
	v1 =	vld [tilespmem:s18+$0xFFFFFFE0]  }
0x38: {  	s15 =	sadd.s32 s15, s16  }
0x39: {  	s18 =	sadd.s32 $0x40, s18;
	[tilespmem:s15+$0x1830 ss:$0x81] =	vst.msk $0xffff, v3  }
.Ltmp4:
0x3a: {  	_ = 	snop;
	(pc) =	sbr.rel .LBB1_4-.Ltmp4, $1  }
0x3b: {  	_ =	sdelay $0x3  }
.LBB1_6:
0x3c: {  	_ =	sfence.sel $0x180000  }
0x3d: {  	s2 =	simm.s32 $0x1;
	[bflag:$0x0] =	sbarrier.arrive $0xFFFF  }
0x3e: {  	s31 =	simm.s32 $0x2;
	[sflag:s2] =	ssyncpa.u1 $0x1  }
0x3f: {  	[sflag:s31] =	ssyncpa.u1 $0x1  }
0x40: {  	p0 =	sne.s32 s0, $0x0;
	_ =	strace $0x9000004A  }
0x41: {  	s0 =	sadd.s32 @!p0 $0x100000, s1;
	[bflag:$0x2] =	sbarrier.arrive $0xFFFF  }
0x42: {  	[sflag:s0] =	ssyncadd.tile.s32 @!p0 $0x1;
	_ =	shalt  }
.Lfunc_end1:
_tile_overlayer_lowered:
.L_overlay_start_2:
0x43: {  	(tag) =	ssettag $0x2  }
0x44: {  	s0 =	rddreg [dreg:$0x0];
	s2 =	stileid.u32  }
0x45: {  	s1 =	rddreg [dreg:$0x1];
	p0 =	sne.s32 s2, $0x0  }
0x46: {  	s3 =	rddreg [dreg:$0x2];
	[bflag:$0x3] =	sbarrier.arrive $0xFFFF;
	s2 =	simm.s32 @!p0 $0x1C01  }
0x47: {  	[timem:s3], [sflag:s2] =	dma.local @!p0 [hbm:s0], s1  }
0x48: {  	s0 =	simm.s32 @!p0 $0x1  }
0x49: {  	_ =	swait.ge @!p0 [sflag:s0], s1  }
0x4a: {  	s1 =	ssub.s32 @!p0 $0x0, s1;
	[sflag:s0] =	ssyncset.done @!p0 $0x0  }
0x4b: {  	[sflag:s0] =	ssyncadd.s32 @!p0 s1  }
0x4c: {  	[bflag:$0x3] =	sbarrier.arrive $0xFFFF  }
0x4d: {  	_ =	shalt  }

</sc_bundles>
